<compile_context>
chip_gen: v7x
topology: tpu7x:2x2x1
jax: 0.10.2.dev20260603
libtpu: 0.0.44.dev20260713+nightly
codegen_flags: <defaults>
</compile_context>

<pallas_src>
import jax
import jax.numpy as jnp
from jax import lax
from jax.experimental import pallas as pl
from jax.experimental.pallas import tpu as pltpu
from jax.experimental.pallas import tpu_sc as plsc

N_NODES = 10000
N_EDGES = 320000
IN_FEATS = 128
HIDDEN = 64
OUT_FEATS = 32

NC = 2
NS = 16
CHUNK = 128
CHUNKS_PER_W = 79
E_PER_W = CHUNKS_PER_W * CHUNK
E_PAD = NC * NS * E_PER_W
N_PAD = 10240
ROWS_PER_S = N_PAD // NS
CNT_W = 8


NBUF = 3
C_MAX = 105


def _sc_edge_agg(D, with_count, c_split, dt=jnp.bfloat16):
    mesh = plsc.VectorSubcoreMesh(
        core_axis_name="c", subcore_axis_name="s",
        num_cores=NC, num_subcores=NS)

    out_type = [jax.ShapeDtypeStruct((NC, N_PAD, D), dt)]
    scratch = [
        pltpu.VMEM((C_MAX, CHUNK), jnp.int32),
        pltpu.VMEM((C_MAX, CHUNK), jnp.int32),
        pltpu.VMEM((NBUF, CHUNK, D), dt),
        pltpu.VMEM_SHARED((N_PAD, D), dt),
        pltpu.SemaphoreType.DMA((NBUF,)),
        pltpu.SemaphoreType.DMA((NBUF,)),
    ]
    if with_count:
        out_type.append(jax.ShapeDtypeStruct((NC, N_PAD, CNT_W), jnp.float32))
        scratch.extend([
            pltpu.VMEM((CHUNK, CNT_W), jnp.float32),
            pltpu.VMEM_SHARED((N_PAD, CNT_W), jnp.float32),
            pltpu.SemaphoreType.DMA((NBUF,)),
        ])

    def body(src_h, dst_h, y_h, zrow_h, zcnt_h, ones_h, *rest):
        if with_count:
            (part_h, cnt_h, sidx, didx, rows, acc, sem_g, sem_s,
             ones, cacc, sem_c) = rest
        else:
            part_h, sidx, didx, rows, acc, sem_g, sem_s = rest
        c = lax.axis_index("c")
        s = lax.axis_index("s")
        n = lax.select(c == 0, c_split[0], c_split[1])
        base = lax.select(c == 0, s * c_split[0],
                          NS * c_split[0] + s * c_split[1])
        pltpu.sync_copy(src_h.at[pl.ds(base, C_MAX)], sidx)
        pltpu.sync_copy(dst_h.at[pl.ds(base, C_MAX)], didx)
        pltpu.sync_copy(zrow_h, acc.at[pl.ds(s * ROWS_PER_S, ROWS_PER_S)])
        if with_count:
            pltpu.sync_copy(zcnt_h, cacc.at[pl.ds(s * ROWS_PER_S, ROWS_PER_S)])
            pltpu.sync_copy(ones_h, ones)
        plsc.subcore_barrier()

        def gather(t):
            b = lax.rem(t, NBUF)
            return pltpu.make_async_copy(
                y_h.at[sidx.at[t]], rows.at[b], sem_g.at[b])

        def scat_start(t):
            b = lax.rem(t, NBUF)
            pltpu.async_copy(
                rows.at[b], acc.at[didx.at[t]], sem_s.at[b], add=True)

        def scat_wait(t):
            b = lax.rem(t, NBUF)
            pltpu.make_async_copy(
                rows.at[b], acc.at[didx.at[t]], sem_s.at[b]).wait()

        def cnt_start(t):
            b = lax.rem(t, NBUF)
            pltpu.async_copy(ones, cacc.at[didx.at[t]], sem_c.at[b], add=True)

        def cnt_wait(t):
            b = lax.rem(t, NBUF)
            pltpu.make_async_copy(ones, cacc.at[didx.at[t]], sem_c.at[b]).wait()

        for t0 in range(NBUF - 1):
            gather(t0).start()

        def step(t, carry):
            gather(t).wait()
            scat_start(t)
            if with_count:
                cnt_start(t)

            @pl.when(t + NBUF - 1 < n)
            def _():
                @pl.when(t >= 1)
                def _():
                    scat_wait(t - 1)
                    if with_count:
                        cnt_wait(t - 1)
                gather(t + NBUF - 1).start()

            return carry

        lax.fori_loop(0, n, step, 0)
        for k in range(NBUF):
            scat_wait(n - NBUF + k)
            if with_count:
                cnt_wait(n - NBUF + k)
        plsc.subcore_barrier()
        sl = pl.ds(s * ROWS_PER_S, ROWS_PER_S)
        pltpu.sync_copy(acc.at[sl], part_h.at[c, sl])
        if with_count:
            pltpu.sync_copy(cacc.at[sl], cnt_h.at[c, sl])

    return pl.kernel(
        body, mesh=mesh, out_type=out_type, scratch_types=scratch,
        compiler_params=pltpu.CompilerParams(use_tc_tiling_on_sc=False))


def _tc_layer1(x, wl_t, wr_t, b):
    def body(x_ref, wl_ref, wr_ref, b_ref, y_ref, r_ref):
        xv = x_ref[...]
        y_ref[...] = jnp.dot(
            xv, wl_ref[...],
            preferred_element_type=jnp.float32).astype(jnp.bfloat16)
        r_ref[...] = (jnp.dot(xv, wr_ref[...], preferred_element_type=jnp.float32)
                      + b_ref[...])

    return pl.pallas_call(
        body,
        out_shape=(jax.ShapeDtypeStruct((N_NODES, HIDDEN), jnp.bfloat16),
                   jax.ShapeDtypeStruct((N_NODES, HIDDEN), jnp.float32)),
    )(x, wl_t, wr_t, b)


def _tc_layer2(part, cnt, r1, wl_t, wr_t, b):
    def body(p_ref, c_ref, r1_ref, wl_ref, wr_ref, b_ref, y_ref, r_ref):
        psum = (p_ref[0].astype(jnp.float32)
                + p_ref[1].astype(jnp.float32))
        cv = c_ref[0, :, 0:1] + c_ref[1, :, 0:1]
        mean = psum / jnp.maximum(cv, 1.0)
        h = jnp.maximum(mean[:N_NODES] + r1_ref[...], 0.0)
        y_ref[...] = jnp.dot(
            h, wl_ref[...],
            preferred_element_type=jnp.float32).astype(jnp.bfloat16)
        r_ref[...] = (jnp.dot(h, wr_ref[...], preferred_element_type=jnp.float32)
                      + b_ref[...])

    return pl.pallas_call(
        body,
        out_shape=(jax.ShapeDtypeStruct((N_NODES, OUT_FEATS), jnp.bfloat16),
                   jax.ShapeDtypeStruct((N_NODES, OUT_FEATS), jnp.float32)),
    )(part, cnt, r1, wl_t, wr_t, b)


def _tc_final(part, cnt, r2):
    def body(p_ref, c_ref, r2_ref, o_ref):
        psum = p_ref[0].astype(jnp.float32) + p_ref[1].astype(jnp.float32)
        cv = c_ref[0, :, 0:1] + c_ref[1, :, 0:1]
        mean = psum / jnp.maximum(cv, 1.0)
        o_ref[...] = mean[:N_NODES] + r2_ref[...]

    return pl.pallas_call(
        body,
        out_shape=jax.ShapeDtypeStruct((N_NODES, OUT_FEATS), jnp.float32),
    )(part, cnt, r2)


def kernel(x, edge_index, W1l, b1, W1r, W2l, b2, W2r):
    src = edge_index[0].astype(jnp.int32)
    dst = edge_index[1].astype(jnp.int32)
    pad = E_PAD - N_EDGES + C_MAX * CHUNK
    src_p = jnp.concatenate(
        [src, jnp.zeros((pad,), jnp.int32)]).reshape(-1, CHUNK)
    dst_p = jnp.concatenate(
        [dst, jnp.full((pad,), N_NODES, jnp.int32)]).reshape(-1, CHUNK)

    z_h = jnp.zeros((ROWS_PER_S, HIDDEN), jnp.bfloat16)
    z_o = jnp.zeros((ROWS_PER_S, OUT_FEATS), jnp.bfloat16)
    z_c = jnp.zeros((ROWS_PER_S, CNT_W), jnp.float32)
    ones_c = jnp.ones((CHUNK, CNT_W), jnp.float32)

    y1, r1 = _tc_layer1(x, W1l.T, W1r.T, b1.reshape(1, HIDDEN))
    part1, cnt = _sc_edge_agg(HIDDEN, True, (96, 62))(
        src_p, dst_p, y1, z_h, z_c, ones_c)
    y2, r2 = _tc_layer2(part1, cnt, r1, W2l.T, W2r.T, b2.reshape(1, OUT_FEATS))
    out2 = _sc_edge_agg(OUT_FEATS, False, (96, 62))(
        src_p, dst_p, y2, z_o, z_c, ones_c)
    part2 = out2[0] if isinstance(out2, (list, tuple)) else out2
    return _tc_final(part2, cnt, r2)

# --- scband reference (transcript-rebuilt; emitter-appended) ---
"""Pipeline reference for scband-sagerecommender-6897717477582 (READ-ONLY COPY).

The authoritative reference and input builder live on the scoring server;
editing this copy changes nothing except your own understanding.
"""

import jax, jax.numpy as jnp
import numpy as np

N_NODES = 10000
N_EDGES = 320000
IN_FEATS = 128
HIDDEN = 64
OUT_FEATS = 32


def setup_inputs(seed: int = 0) -> dict:
    key = jax.random.key(seed)
    ks = jax.random.split(key, 8)
    x = jax.random.normal(ks[0], (N_NODES, IN_FEATS), dtype=jnp.float32)
    edge_index = jax.random.randint(ks[1], (2, N_EDGES), 0, N_NODES, dtype=jnp.int64)
    # SAGEConv layer 1 params (lin_l: aggregated neighbors, with bias; lin_r: root, no bias)
    s1 = 1.0 / np.sqrt(IN_FEATS)
    W1l = jax.random.uniform(ks[2], (HIDDEN, IN_FEATS), minval=-s1, maxval=s1, dtype=jnp.float32)
    b1 = jnp.zeros((HIDDEN,), dtype=jnp.float32)
    W1r = jax.random.uniform(ks[3], (HIDDEN, IN_FEATS), minval=-s1, maxval=s1, dtype=jnp.float32)
    # SAGEConv layer 2 params
    s2 = 1.0 / np.sqrt(HIDDEN)
    W2l = jax.random.uniform(ks[4], (OUT_FEATS, HIDDEN), minval=-s2, maxval=s2, dtype=jnp.float32)
    b2 = jnp.zeros((OUT_FEATS,), dtype=jnp.float32)
    W2r = jax.random.uniform(ks[5], (OUT_FEATS, HIDDEN), minval=-s2, maxval=s2, dtype=jnp.float32)
    return {"x": x, "edge_index": edge_index, "W1l": W1l, "b1": b1, "W1r": W1r, "W2l": W2l, "b2": b2, "W2r": W2r}


def _sage_conv(x, src, dst, Wl, b, Wr):
    # mean aggregation of neighbor features (messages flow src -> dst)
    msgs = jnp.take(x, src, axis=0)
    agg = jax.ops.segment_sum(msgs, dst, num_segments=N_NODES)
    cnt = jax.ops.segment_sum(jnp.ones((src.shape[0],), dtype=x.dtype), dst, num_segments=N_NODES)
    mean = agg / jnp.clip(cnt, 1.0)[:, None]
    return mean @ Wl.T + b + x @ Wr.T


def reference(x, edge_index, W1l, b1, W1r, W2l, b2, W2r):
    src = edge_index[0]
    dst = edge_index[1]
    h = _sage_conv(x, src, dst, W1l, b1, W1r)
    h = jax.nn.relu(h)
    out = _sage_conv(h, src, dst, W2l, b2, W2r)
    return out

if __name__ == "__main__":
    import jax
    _d = setup_inputs()
    print(jax.jit(kernel)(*tuple(_d.values())))

</pallas_src>

<mosaic_0001>
#map = affine_map<(d0, d1) -> (0, 0)>
#map1 = affine_map<(d0, d1) -> (0, 0, 0)>
module attributes {stable_mosaic.version = 14 : i64} {
  func.func @body(%arg0: i32, %arg1: i32, %arg2: memref<2633x128xi32, #tpu.memory_space<hbm>>, %arg3: memref<2633x128xi32, #tpu.memory_space<hbm>>, %arg4: memref<10000x64xbf16, #tpu.memory_space<hbm>>, %arg5: memref<640x64xbf16, #tpu.memory_space<hbm>>, %arg6: memref<640x8xf32, #tpu.memory_space<hbm>>, %arg7: memref<128x8xf32, #tpu.memory_space<hbm>>, %arg8: memref<2x10240x64xbf16, #tpu.memory_space<hbm>>, %arg9: memref<2x10240x8xf32, #tpu.memory_space<hbm>>, %arg10: memref<105x128xi32, #tpu.memory_space<vmem>>, %arg11: memref<105x128xi32, #tpu.memory_space<vmem>>, %arg12: memref<3x128x64xbf16, #tpu.memory_space<vmem>>, %arg13: memref<10240x64xbf16, #tpu.memory_space<vmem_shared>>, %arg14: memref<3x!tpu.dma_semaphore, #tpu.memory_space<semaphore_mem>>, %arg15: memref<3x!tpu.dma_semaphore, #tpu.memory_space<semaphore_mem>>, %arg16: memref<128x8xf32, #tpu.memory_space<vmem>>, %arg17: memref<10240x8xf32, #tpu.memory_space<vmem_shared>>, %arg18: memref<3x!tpu.dma_semaphore, #tpu.memory_space<semaphore_mem>>) attributes {dimension_semantics = [#tpu.dimension_semantics<core_parallel>, #tpu.dimension_semantics<subcore_parallel>], iteration_bounds = array<i64: 2, 16>, scalar_prefetch = 0 : i64, scratch_operands = 9 : i64, tpu.core_type = #tpu.core_type<sc_vector_subcore>, window_params = [{transform_indices = #map}, {transform_indices = #map}, {transform_indices = #map}, {transform_indices = #map}, {transform_indices = #map}, {transform_indices = #map}, {transform_indices = #map1}, {transform_indices = #map1}]} {
    %eq3A = arith.constant 0 : i32
    %eq3A_0 = arith.cmpi eq, %arg0, %eq3A : i32
    %select_n3A = arith.constant 62 : i32
    %select_n3A_1 = arith.constant 96 : i32
    %select_n3A_2 = arith.select %eq3A_0, %select_n3A_1, %select_n3A : i32
    %eq3A_3 = arith.constant 0 : i32
    %eq3A_4 = arith.cmpi eq, %arg0, %eq3A_3 : i32
    %mul3A = arith.constant 96 : i32
    %mul3A_5 = arith.muli %arg1, %mul3A : i32
    %mul3A_6 = arith.constant 62 : i32
    %mul3A_7 = arith.muli %arg1, %mul3A_6 : i32
    %add3A = arith.constant 1536 : i32
    %add3A_8 = arith.addi %add3A, %mul3A_7 : i32
    %select_n3A_9 = arith.select %eq3A_4, %mul3A_5, %add3A_8 : i32
    "tpu.region"() ({
      %run_scoped3A = tpu.sem_alloc : memref<!tpu.dma_semaphore, #tpu.memory_space<semaphore_mem>>
      %dma_start3A_150 = arith.constant 0 : i32
      %dma_start3A_151 = tpu.memref_slice %arg2[%select_n3A_9, %dma_start3A_150] : memref<2633x128xi32, #tpu.memory_space<hbm>> -> memref<105x128xi32, #tpu.memory_space<hbm>>
      %dma_start3A_152 = arith.constant 0 : i32
      %dma_start3A_153 = tpu.memref_slice %arg2[%select_n3A_9, %dma_start3A_152] : memref<2633x128xi32, #tpu.memory_space<hbm>> -> memref<105x128xi32, #tpu.memory_space<hbm>>
      tpu.enqueue_dma source(%dma_start3A_153 : memref<105x128xi32, #tpu.memory_space<hbm>>) target(%arg10 : memref<105x128xi32, #tpu.memory_space<vmem>>) target_semaphore(%run_scoped3A : memref<!tpu.dma_semaphore, #tpu.memory_space<semaphore_mem>>)
      %dma_wait3A_154 = arith.constant 0 : i32
      %dma_wait3A_155 = tpu.memref_slice %arg2[%select_n3A_9, %dma_wait3A_154] : memref<2633x128xi32, #tpu.memory_space<hbm>> -> memref<105x128xi32, #tpu.memory_space<hbm>>
      %dma_wait3A_156 = arith.constant 0 : i32
      %dma_wait3A_157 = tpu.memref_slice %arg2[%select_n3A_9, %dma_wait3A_156] : memref<2633x128xi32, #tpu.memory_space<hbm>> -> memref<105x128xi32, #tpu.memory_space<hbm>>
      tpu.wait_dma2 semaphore(%run_scoped3A : memref<!tpu.dma_semaphore, #tpu.memory_space<semaphore_mem>>) src(%dma_wait3A_157 : memref<105x128xi32, #tpu.memory_space<hbm>>) dst(%arg10 : memref<105x128xi32, #tpu.memory_space<vmem>>)
      tpu.yield
    }) : () -> ()
    "tpu.region"() ({
      %run_scoped3A = tpu.sem_alloc : memref<!tpu.dma_semaphore, #tpu.memory_space<semaphore_mem>>
      %dma_start3A_150 = arith.constant 0 : i32
      %dma_start3A_151 = tpu.memref_slice %arg3[%select_n3A_9, %dma_start3A_150] : memref<2633x128xi32, #tpu.memory_space<hbm>> -> memref<105x128xi32, #tpu.memory_space<hbm>>
      %dma_start3A_152 = arith.constant 0 : i32
      %dma_start3A_153 = tpu.memref_slice %arg3[%select_n3A_9, %dma_start3A_152] : memref<2633x128xi32, #tpu.memory_space<hbm>> -> memref<105x128xi32, #tpu.memory_space<hbm>>
      tpu.enqueue_dma source(%dma_start3A_153 : memref<105x128xi32, #tpu.memory_space<hbm>>) target(%arg11 : memref<105x128xi32, #tpu.memory_space<vmem>>) target_semaphore(%run_scoped3A : memref<!tpu.dma_semaphore, #tpu.memory_space<semaphore_mem>>)
      %dma_wait3A_154 = arith.constant 0 : i32
      %dma_wait3A_155 = tpu.memref_slice %arg3[%select_n3A_9, %dma_wait3A_154] : memref<2633x128xi32, #tpu.memory_space<hbm>> -> memref<105x128xi32, #tpu.memory_space<hbm>>
      %dma_wait3A_156 = arith.constant 0 : i32
      %dma_wait3A_157 = tpu.memref_slice %arg3[%select_n3A_9, %dma_wait3A_156] : memref<2633x128xi32, #tpu.memory_space<hbm>> -> memref<105x128xi32, #tpu.memory_space<hbm>>
      tpu.wait_dma2 semaphore(%run_scoped3A : memref<!tpu.dma_semaphore, #tpu.memory_space<semaphore_mem>>) src(%dma_wait3A_157 : memref<105x128xi32, #tpu.memory_space<hbm>>) dst(%arg11 : memref<105x128xi32, #tpu.memory_space<vmem>>)
      tpu.yield
    }) : () -> ()
    %mul3A_10 = arith.constant 640 : i32
    %mul3A_11 = arith.muli %arg1, %mul3A_10 : i32
    "tpu.region"() ({
      %run_scoped3A = tpu.sem_alloc : memref<!tpu.dma_semaphore, #tpu.memory_space<semaphore_mem>>
      %dma_start3A_150 = arith.constant 0 : i32
      %dma_start3A_151 = tpu.memref_slice %arg13[%mul3A_11, %dma_start3A_150] : memref<10240x64xbf16, #tpu.memory_space<vmem_shared>> -> memref<640x64xbf16, #tpu.memory_space<vmem_shared>>
      tpu.enqueue_dma source(%arg5 : memref<640x64xbf16, #tpu.memory_space<hbm>>) target(%dma_start3A_151 : memref<640x64xbf16, #tpu.memory_space<vmem_shared>>) target_semaphore(%run_scoped3A : memref<!tpu.dma_semaphore, #tpu.memory_space<semaphore_mem>>)
      %dma_wait3A_152 = arith.constant 0 : i32
      %dma_wait3A_153 = tpu.memref_slice %arg13[%mul3A_11, %dma_wait3A_152] : memref<10240x64xbf16, #tpu.memory_space<vmem_shared>> -> memref<640x64xbf16, #tpu.memory_space<vmem_shared>>
      tpu.wait_dma2 semaphore(%run_scoped3A : memref<!tpu.dma_semaphore, #tpu.memory_space<semaphore_mem>>) src(%arg5 : memref<640x64xbf16, #tpu.memory_space<hbm>>) dst(%dma_wait3A_153 : memref<640x64xbf16, #tpu.memory_space<vmem_shared>>)
      tpu.yield
    }) : () -> ()
    %mul3A_12 = arith.constant 640 : i32
    %mul3A_13 = arith.muli %arg1, %mul3A_12 : i32
    "tpu.region"() ({
      %run_scoped3A = tpu.sem_alloc : memref<!tpu.dma_semaphore, #tpu.memory_space<semaphore_mem>>
      %dma_start3A_150 = arith.constant 0 : i32
      %dma_start3A_151 = tpu.memref_slice %arg17[%mul3A_13, %dma_start3A_150] : memref<10240x8xf32, #tpu.memory_space<vmem_shared>> -> memref<640x8xf32, #tpu.memory_space<vmem_shared>>
      tpu.enqueue_dma source(%arg6 : memref<640x8xf32, #tpu.memory_space<hbm>>) target(%dma_start3A_151 : memref<640x8xf32, #tpu.memory_space<vmem_shared>>) target_semaphore(%run_scoped3A : memref<!tpu.dma_semaphore, #tpu.memory_space<semaphore_mem>>)
      %dma_wait3A_152 = arith.constant 0 : i32
      %dma_wait3A_153 = tpu.memref_slice %arg17[%mul3A_13, %dma_wait3A_152] : memref<10240x8xf32, #tpu.memory_space<vmem_shared>> -> memref<640x8xf32, #tpu.memory_space<vmem_shared>>
      tpu.wait_dma2 semaphore(%run_scoped3A : memref<!tpu.dma_semaphore, #tpu.memory_space<semaphore_mem>>) src(%arg6 : memref<640x8xf32, #tpu.memory_space<hbm>>) dst(%dma_wait3A_153 : memref<640x8xf32, #tpu.memory_space<vmem_shared>>)
      tpu.yield
    }) : () -> ()
    "tpu.region"() ({
      %run_scoped3A = tpu.sem_alloc : memref<!tpu.dma_semaphore, #tpu.memory_space<semaphore_mem>>
      tpu.enqueue_dma source(%arg7 : memref<128x8xf32, #tpu.memory_space<hbm>>) target(%arg16 : memref<128x8xf32, #tpu.memory_space<vmem>>) target_semaphore(%run_scoped3A : memref<!tpu.dma_semaphore, #tpu.memory_space<semaphore_mem>>)
      tpu.wait_dma2 semaphore(%run_scoped3A : memref<!tpu.dma_semaphore, #tpu.memory_space<semaphore_mem>>) src(%arg7 : memref<128x8xf32, #tpu.memory_space<hbm>>) dst(%arg16 : memref<128x8xf32, #tpu.memory_space<vmem>>)
      tpu.yield
    }) : () -> ()
    %barrier3A = arith.constant 0 : index
    tpu.barrier barrier_id(%barrier3A)
    %rem3A = arith.constant 0 : i32
    %rem3A_14 = arith.constant 3 : i32
    %rem3A_15 = arith.remsi %rem3A, %rem3A_14 : i32
    %dma_start3A = arith.constant 0 : i32
    %dma_start3A_16 = arith.constant 0 : i32
    %dma_start3A_17 = arith.constant 0 : i32
    %dma_start3A_18 = tpu.memref_slice %arg12[%rem3A_15, %dma_start3A_16, %dma_start3A_17] : memref<3x128x64xbf16, #tpu.memory_space<vmem>> -> memref<1x128x64xbf16, #tpu.memory_space<vmem>>
    %dma_start3A_19 = tpu.memref_squeeze %dma_start3A_18 : memref<1x128x64xbf16, #tpu.memory_space<vmem>> -> memref<128x64xbf16, #tpu.memory_space<vmem>>
    %dma_start3A_20 = arith.constant 0 : i32
    %dma_start3A_21 = tpu.memref_slice %arg10[%dma_start3A, %dma_start3A_20] : memref<105x128xi32, #tpu.memory_space<vmem>> -> memref<1x128xi32, #tpu.memory_space<vmem>>
    %dma_start3A_22 = tpu.memref_squeeze %dma_start3A_21 : memref<1x128xi32, #tpu.memory_space<vmem>> -> memref<128xi32, #tpu.memory_space<vmem>>
    %dma_start3A_23 = arith.constant 0 : i32
    %dma_start3A_24 = arith.constant 0 : i32
    %dma_start3A_25 = tpu.memref_slice %arg4[%dma_start3A_23, %dma_start3A_24] : memref<10000x64xbf16, #tpu.memory_space<hbm>> -> memref<10000x64xbf16, #tpu.memory_space<hbm>>
    %dma_start3A_26 = tpu.memref_slice %arg14[%rem3A_15] : memref<3x!tpu.dma_semaphore, #tpu.memory_space<semaphore_mem>> -> memref<1x!tpu.dma_semaphore, #tpu.memory_space<semaphore_mem>>
    %dma_start3A_27 = tpu.memref_squeeze %dma_start3A_26 : memref<1x!tpu.dma_semaphore, #tpu.memory_space<semaphore_mem>> -> memref<!tpu.dma_semaphore, #tpu.memory_space<semaphore_mem>>
    tpu.enqueue_indirect_dma source(%dma_start3A_25 : memref<10000x64xbf16, #tpu.memory_space<hbm>>) target(%dma_start3A_19 : memref<128x64xbf16, #tpu.memory_space<vmem>>) offsets(%dma_start3A_22 : memref<128xi32, #tpu.memory_space<vmem>>) semaphore(%dma_start3A_27 : memref<!tpu.dma_semaphore, #tpu.memory_space<semaphore_mem>>)
    %rem3A_28 = arith.constant 1 : i32
    %rem3A_29 = arith.constant 3 : i32
    %rem3A_30 = arith.remsi %rem3A_28, %rem3A_29 : i32
    %dma_start3A_31 = arith.constant 1 : i32
    %dma_start3A_32 = arith.constant 0 : i32
    %dma_start3A_33 = arith.constant 0 : i32
    %dma_start3A_34 = tpu.memref_slice %arg12[%rem3A_30, %dma_start3A_32, %dma_start3A_33] : memref<3x128x64xbf16, #tpu.memory_space<vmem>> -> memref<1x128x64xbf16, #tpu.memory_space<vmem>>
    %dma_start3A_35 = tpu.memref_squeeze %dma_start3A_34 : memref<1x128x64xbf16, #tpu.memory_space<vmem>> -> memref<128x64xbf16, #tpu.memory_space<vmem>>
    %dma_start3A_36 = arith.constant 0 : i32
    %dma_start3A_37 = tpu.memref_slice %arg10[%dma_start3A_31, %dma_start3A_36] : memref<105x128xi32, #tpu.memory_space<vmem>> -> memref<1x128xi32, #tpu.memory_space<vmem>>
    %dma_start3A_38 = tpu.memref_squeeze %dma_start3A_37 : memref<1x128xi32, #tpu.memory_space<vmem>> -> memref<128xi32, #tpu.memory_space<vmem>>
    %dma_start3A_39 = arith.constant 0 : i32
    %dma_start3A_40 = arith.constant 0 : i32
    %dma_start3A_41 = tpu.memref_slice %arg4[%dma_start3A_39, %dma_start3A_40] : memref<10000x64xbf16, #tpu.memory_space<hbm>> -> memref<10000x64xbf16, #tpu.memory_space<hbm>>
    %dma_start3A_42 = tpu.memref_slice %arg14[%rem3A_30] : memref<3x!tpu.dma_semaphore, #tpu.memory_space<semaphore_mem>> -> memref<1x!tpu.dma_semaphore, #tpu.memory_space<semaphore_mem>>
    %dma_start3A_43 = tpu.memref_squeeze %dma_start3A_42 : memref<1x!tpu.dma_semaphore, #tpu.memory_space<semaphore_mem>> -> memref<!tpu.dma_semaphore, #tpu.memory_space<semaphore_mem>>
    tpu.enqueue_indirect_dma source(%dma_start3A_41 : memref<10000x64xbf16, #tpu.memory_space<hbm>>) target(%dma_start3A_35 : memref<128x64xbf16, #tpu.memory_space<vmem>>) offsets(%dma_start3A_38 : memref<128xi32, #tpu.memory_space<vmem>>) semaphore(%dma_start3A_43 : memref<!tpu.dma_semaphore, #tpu.memory_space<semaphore_mem>>)
    %while3A = arith.constant 0 : i32
    %while3A_44 = arith.constant 0 : i32
    %while3A_45 = arith.subi %select_n3A_2, %while3A_44 : i32
    %while3A_46 = arith.addi %while3A_44, %while3A_45 : i32
    %while3A_47 = arith.constant 1 : i32
    %while3A_48 = arith.divsi %while3A_45, %while3A_47 : i32
    %while3A_49 = arith.muli %while3A_48, %while3A_47 : i32
    %while3A_50 = arith.addi %while3A_44, %while3A_49 : i32
    %while3A_51 = arith.constant 1 : i32
    scf.for %while3A_150 = %while3A_44 to %while3A_50 step %while3A_51  : i32 {
      %rem3A_151 = arith.constant 3 : i32
      %rem3A_152 = arith.remsi %while3A_150, %rem3A_151 : i32
      %dma_wait3A_153 = arith.constant 0 : i32
      %dma_wait3A_154 = arith.constant 0 : i32
      %dma_wait3A_155 = tpu.memref_slice %arg12[%rem3A_152, %dma_wait3A_153, %dma_wait3A_154] : memref<3x128x64xbf16, #tpu.memory_space<vmem>> -> memref<1x128x64xbf16, #tpu.memory_space<vmem>>
      %dma_wait3A_156 = tpu.memref_squeeze %dma_wait3A_155 : memref<1x128x64xbf16, #tpu.memory_space<vmem>> -> memref<128x64xbf16, #tpu.memory_space<vmem>>
      %dma_wait3A_157 = arith.constant 0 : i32
      %dma_wait3A_158 = tpu.memref_slice %arg10[%while3A_150, %dma_wait3A_157] : memref<105x128xi32, #tpu.memory_space<vmem>> -> memref<1x128xi32, #tpu.memory_space<vmem>>
      %dma_wait3A_159 = tpu.memref_squeeze %dma_wait3A_158 : memref<1x128xi32, #tpu.memory_space<vmem>> -> memref<128xi32, #tpu.memory_space<vmem>>
      %dma_wait3A_160 = arith.constant 0 : i32
      %dma_wait3A_161 = arith.constant 0 : i32
      %dma_wait3A_162 = tpu.memref_slice %arg4[%dma_wait3A_160, %dma_wait3A_161] : memref<10000x64xbf16, #tpu.memory_space<hbm>> -> memref<10000x64xbf16, #tpu.memory_space<hbm>>
      %dma_wait3A_163 = tpu.memref_slice %arg14[%rem3A_152] : memref<3x!tpu.dma_semaphore, #tpu.memory_space<semaphore_mem>> -> memref<1x!tpu.dma_semaphore, #tpu.memory_space<semaphore_mem>>
      %dma_wait3A_164 = tpu.memref_squeeze %dma_wait3A_163 : memref<1x!tpu.dma_semaphore, #tpu.memory_space<semaphore_mem>> -> memref<!tpu.dma_semaphore, #tpu.memory_space<semaphore_mem>>
      tpu.wait_indirect_dma semaphore(%dma_wait3A_164 : memref<!tpu.dma_semaphore, #tpu.memory_space<semaphore_mem>>) src(%dma_wait3A_162 : memref<10000x64xbf16, #tpu.memory_space<hbm>>) dst(%dma_wait3A_156 : memref<128x64xbf16, #tpu.memory_space<vmem>>)
      %rem3A_165 = arith.constant 3 : i32
      %rem3A_166 = arith.remsi %while3A_150, %rem3A_165 : i32
      %dma_start3A_167 = arith.constant 0 : i32
      %dma_start3A_168 = arith.constant 0 : i32
      %dma_start3A_169 = tpu.memref_slice %arg12[%rem3A_166, %dma_start3A_167, %dma_start3A_168] : memref<3x128x64xbf16, #tpu.memory_space<vmem>> -> memref<1x128x64xbf16, #tpu.memory_space<vmem>>
      %dma_start3A_170 = tpu.memref_squeeze %dma_start3A_169 : memref<1x128x64xbf16, #tpu.memory_space<vmem>> -> memref<128x64xbf16, #tpu.memory_space<vmem>>
      %dma_start3A_171 = arith.constant 0 : i32
      %dma_start3A_172 = tpu.memref_slice %arg11[%while3A_150, %dma_start3A_171] : memref<105x128xi32, #tpu.memory_space<vmem>> -> memref<1x128xi32, #tpu.memory_space<vmem>>
      %dma_start3A_173 = tpu.memref_squeeze %dma_start3A_172 : memref<1x128xi32, #tpu.memory_space<vmem>> -> memref<128xi32, #tpu.memory_space<vmem>>
      %dma_start3A_174 = arith.constant 0 : i32
      %dma_start3A_175 = arith.constant 0 : i32
      %dma_start3A_176 = tpu.memref_slice %arg13[%dma_start3A_174, %dma_start3A_175] : memref<10240x64xbf16, #tpu.memory_space<vmem_shared>> -> memref<10240x64xbf16, #tpu.memory_space<vmem_shared>>
      %dma_start3A_177 = tpu.memref_slice %arg15[%rem3A_166] : memref<3x!tpu.dma_semaphore, #tpu.memory_space<semaphore_mem>> -> memref<1x!tpu.dma_semaphore, #tpu.memory_space<semaphore_mem>>
      %dma_start3A_178 = tpu.memref_squeeze %dma_start3A_177 : memref<1x!tpu.dma_semaphore, #tpu.memory_space<semaphore_mem>> -> memref<!tpu.dma_semaphore, #tpu.memory_space<semaphore_mem>>
      tpu.enqueue_indirect_dma source(%dma_start3A_170 : memref<128x64xbf16, #tpu.memory_space<vmem>>) target(%dma_start3A_176 : memref<10240x64xbf16, #tpu.memory_space<vmem_shared>>) offsets(%dma_start3A_173 : memref<128xi32, #tpu.memory_space<vmem>>) semaphore(%dma_start3A_178 : memref<!tpu.dma_semaphore, #tpu.memory_space<semaphore_mem>>) {add = true}
      %rem3A_179 = arith.constant 3 : i32
      %rem3A_180 = arith.remsi %while3A_150, %rem3A_179 : i32
      %dma_start3A_181 = arith.constant 0 : i32
      %dma_start3A_182 = tpu.memref_slice %arg11[%while3A_150, %dma_start3A_181] : memref<105x128xi32, #tpu.memory_space<vmem>> -> memref<1x128xi32, #tpu.memory_space<vmem>>
      %dma_start3A_183 = tpu.memref_squeeze %dma_start3A_182 : memref<1x128xi32, #tpu.memory_space<vmem>> -> memref<128xi32, #tpu.memory_space<vmem>>
      %dma_start3A_184 = arith.constant 0 : i32
      %dma_start3A_185 = arith.constant 0 : i32
      %dma_start3A_186 = tpu.memref_slice %arg17[%dma_start3A_184, %dma_start3A_185] : memref<10240x8xf32, #tpu.memory_space<vmem_shared>> -> memref<10240x8xf32, #tpu.memory_space<vmem_shared>>
      %dma_start3A_187 = tpu.memref_slice %arg18[%rem3A_180] : memref<3x!tpu.dma_semaphore, #tpu.memory_space<semaphore_mem>> -> memref<1x!tpu.dma_semaphore, #tpu.memory_space<semaphore_mem>>
      %dma_start3A_188 = tpu.memref_squeeze %dma_start3A_187 : memref<1x!tpu.dma_semaphore, #tpu.memory_space<semaphore_mem>> -> memref<!tpu.dma_semaphore, #tpu.memory_space<semaphore_mem>>
      tpu.enqueue_indirect_dma source(%arg16 : memref<128x8xf32, #tpu.memory_space<vmem>>) target(%dma_start3A_186 : memref<10240x8xf32, #tpu.memory_space<vmem_shared>>) offsets(%dma_start3A_183 : memref<128xi32, #tpu.memory_space<vmem>>) semaphore(%dma_start3A_188 : memref<!tpu.dma_semaphore, #tpu.memory_space<semaphore_mem>>) {add = true}
      %add3A_189 = arith.constant 3 : i32
      %add3A_190 = arith.addi %while3A_150, %add3A_189 : i32
      %sub3A_191 = arith.constant 1 : i32
      %sub3A_192 = arith.subi %add3A_190, %sub3A_191 : i32
      %lt3A = arith.cmpi slt, %sub3A_192, %select_n3A_2 : i32
      %convert_element_type3A = arith.extui %lt3A : i1 to i32
      %cond3A = arith.constant 0 : i32
      %cond3A_193 = arith.cmpi ne, %convert_element_type3A, %cond3A : i32
      scf.if %cond3A_193 {
        %ge3A = arith.constant 1 : i32
        %ge3A_194 = arith.cmpi sge, %while3A_150, %ge3A : i32
        %convert_element_type3A_195 = arith.extui %ge3A_194 : i1 to i32
        %cond3A_196 = arith.constant 0 : i32
        %cond3A_197 = arith.cmpi ne, %convert_element_type3A_195, %cond3A_196 : i32
        scf.if %cond3A_197 {
          %sub3A_216 = arith.constant 1 : i32
          %sub3A_217 = arith.subi %while3A_150, %sub3A_216 : i32
          %rem3A_218 = arith.constant 3 : i32
          %rem3A_219 = arith.remsi %sub3A_217, %rem3A_218 : i32
          %dma_wait3A_220 = arith.constant 0 : i32
          %dma_wait3A_221 = arith.constant 0 : i32
          %dma_wait3A_222 = tpu.memref_slice %arg12[%rem3A_219, %dma_wait3A_220, %dma_wait3A_221] : memref<3x128x64xbf16, #tpu.memory_space<vmem>> -> memref<1x128x64xbf16, #tpu.memory_space<vmem>>
          %dma_wait3A_223 = tpu.memref_squeeze %dma_wait3A_222 : memref<1x128x64xbf16, #tpu.memory_space<vmem>> -> memref<128x64xbf16, #tpu.memory_space<vmem>>
          %dma_wait3A_224 = arith.constant 0 : i32
          %dma_wait3A_225 = tpu.memref_slice %arg11[%sub3A_217, %dma_wait3A_224] : memref<105x128xi32, #tpu.memory_space<vmem>> -> memref<1x128xi32, #tpu.memory_space<vmem>>
          %dma_wait3A_226 = tpu.memref_squeeze %dma_wait3A_225 : memref<1x128xi32, #tpu.memory_space<vmem>> -> memref<128xi32, #tpu.memory_space<vmem>>
          %dma_wait3A_227 = arith.constant 0 : i32
          %dma_wait3A_228 = arith.constant 0 : i32
          %dma_wait3A_229 = tpu.memref_slice %arg13[%dma_wait3A_227, %dma_wait3A_228] : memref<10240x64xbf16, #tpu.memory_space<vmem_shared>> -> memref<10240x64xbf16, #tpu.memory_space<vmem_shared>>
          %dma_wait3A_230 = tpu.memref_slice %arg15[%rem3A_219] : memref<3x!tpu.dma_semaphore, #tpu.memory_space<semaphore_mem>> -> memref<1x!tpu.dma_semaphore, #tpu.memory_space<semaphore_mem>>
          %dma_wait3A_231 = tpu.memref_squeeze %dma_wait3A_230 : memref<1x!tpu.dma_semaphore, #tpu.memory_space<semaphore_mem>> -> memref<!tpu.dma_semaphore, #tpu.memory_space<semaphore_mem>>
          tpu.wait_indirect_dma semaphore(%dma_wait3A_231 : memref<!tpu.dma_semaphore, #tpu.memory_space<semaphore_mem>>) src(%dma_wait3A_223 : memref<128x64xbf16, #tpu.memory_space<vmem>>) dst(%dma_wait3A_229 : memref<10240x64xbf16, #tpu.memory_space<vmem_shared>>)
          %sub3A_232 = arith.constant 1 : i32
          %sub3A_233 = arith.subi %while3A_150, %sub3A_232 : i32
          %rem3A_234 = arith.constant 3 : i32
          %rem3A_235 = arith.remsi %sub3A_233, %rem3A_234 : i32
          %dma_wait3A_236 = arith.constant 0 : i32
          %dma_wait3A_237 = tpu.memref_slice %arg11[%sub3A_233, %dma_wait3A_236] : memref<105x128xi32, #tpu.memory_space<vmem>> -> memref<1x128xi32, #tpu.memory_space<vmem>>
          %dma_wait3A_238 = tpu.memref_squeeze %dma_wait3A_237 : memref<1x128xi32, #tpu.memory_space<vmem>> -> memref<128xi32, #tpu.memory_space<vmem>>
          %dma_wait3A_239 = arith.constant 0 : i32
          %dma_wait3A_240 = arith.constant 0 : i32
          %dma_wait3A_241 = tpu.memref_slice %arg17[%dma_wait3A_239, %dma_wait3A_240] : memref<10240x8xf32, #tpu.memory_space<vmem_shared>> -> memref<10240x8xf32, #tpu.memory_space<vmem_shared>>
          %dma_wait3A_242 = tpu.memref_slice %arg18[%rem3A_235] : memref<3x!tpu.dma_semaphore, #tpu.memory_space<semaphore_mem>> -> memref<1x!tpu.dma_semaphore, #tpu.memory_space<semaphore_mem>>
          %dma_wait3A_243 = tpu.memref_squeeze %dma_wait3A_242 : memref<1x!tpu.dma_semaphore, #tpu.memory_space<semaphore_mem>> -> memref<!tpu.dma_semaphore, #tpu.memory_space<semaphore_mem>>
          tpu.wait_indirect_dma semaphore(%dma_wait3A_243 : memref<!tpu.dma_semaphore, #tpu.memory_space<semaphore_mem>>) src(%arg16 : memref<128x8xf32, #tpu.memory_space<vmem>>) dst(%dma_wait3A_241 : memref<10240x8xf32, #tpu.memory_space<vmem_shared>>)
        } else {
        }
        %add3A_198 = arith.constant 3 : i32
        %add3A_199 = arith.addi %while3A_150, %add3A_198 : i32
        %sub3A_200 = arith.constant 1 : i32
        %sub3A_201 = arith.subi %add3A_199, %sub3A_200 : i32
        %rem3A_202 = arith.constant 3 : i32
        %rem3A_203 = arith.remsi %sub3A_201, %rem3A_202 : i32
        %dma_start3A_204 = arith.constant 0 : i32
        %dma_start3A_205 = arith.constant 0 : i32
        %dma_start3A_206 = tpu.memref_slice %arg12[%rem3A_203, %dma_start3A_204, %dma_start3A_205] : memref<3x128x64xbf16, #tpu.memory_space<vmem>> -> memref<1x128x64xbf16, #tpu.memory_space<vmem>>
        %dma_start3A_207 = tpu.memref_squeeze %dma_start3A_206 : memref<1x128x64xbf16, #tpu.memory_space<vmem>> -> memref<128x64xbf16, #tpu.memory_space<vmem>>
        %dma_start3A_208 = arith.constant 0 : i32
        %dma_start3A_209 = tpu.memref_slice %arg10[%sub3A_201, %dma_start3A_208] : memref<105x128xi32, #tpu.memory_space<vmem>> -> memref<1x128xi32, #tpu.memory_space<vmem>>
        %dma_start3A_210 = tpu.memref_squeeze %dma_start3A_209 : memref<1x128xi32, #tpu.memory_space<vmem>> -> memref<128xi32, #tpu.memory_space<vmem>>
        %dma_start3A_211 = arith.constant 0 : i32
        %dma_start3A_212 = arith.constant 0 : i32
        %dma_start3A_213 = tpu.memref_slice %arg4[%dma_start3A_211, %dma_start3A_212] : memref<10000x64xbf16, #tpu.memory_space<hbm>> -> memref<10000x64xbf16, #tpu.memory_space<hbm>>
        %dma_start3A_214 = tpu.memref_slice %arg14[%rem3A_203] : memref<3x!tpu.dma_semaphore, #tpu.memory_space<semaphore_mem>> -> memref<1x!tpu.dma_semaphore, #tpu.memory_space<semaphore_mem>>
        %dma_start3A_215 = tpu.memref_squeeze %dma_start3A_214 : memref<1x!tpu.dma_semaphore, #tpu.memory_space<semaphore_mem>> -> memref<!tpu.dma_semaphore, #tpu.memory_space<semaphore_mem>>
        tpu.enqueue_indirect_dma source(%dma_start3A_213 : memref<10000x64xbf16, #tpu.memory_space<hbm>>) target(%dma_start3A_207 : memref<128x64xbf16, #tpu.memory_space<vmem>>) offsets(%dma_start3A_210 : memref<128xi32, #tpu.memory_space<vmem>>) semaphore(%dma_start3A_215 : memref<!tpu.dma_semaphore, #tpu.memory_space<semaphore_mem>>)
      } else {
      }
    }
    %while3A_52 = arith.constant 1 : i32
    scf.for %while3A_150 = %while3A_50 to %while3A_46 step %while3A_52  : i32 {
      %rem3A_151 = arith.constant 3 : i32
      %rem3A_152 = arith.remsi %while3A_150, %rem3A_151 : i32
      %dma_wait3A_153 = arith.constant 0 : i32
      %dma_wait3A_154 = arith.constant 0 : i32
      %dma_wait3A_155 = tpu.memref_slice %arg12[%rem3A_152, %dma_wait3A_153, %dma_wait3A_154] : memref<3x128x64xbf16, #tpu.memory_space<vmem>> -> memref<1x128x64xbf16, #tpu.memory_space<vmem>>
      %dma_wait3A_156 = tpu.memref_squeeze %dma_wait3A_155 : memref<1x128x64xbf16, #tpu.memory_space<vmem>> -> memref<128x64xbf16, #tpu.memory_space<vmem>>
      %dma_wait3A_157 = arith.constant 0 : i32
      %dma_wait3A_158 = tpu.memref_slice %arg10[%while3A_150, %dma_wait3A_157] : memref<105x128xi32, #tpu.memory_space<vmem>> -> memref<1x128xi32, #tpu.memory_space<vmem>>
      %dma_wait3A_159 = tpu.memref_squeeze %dma_wait3A_158 : memref<1x128xi32, #tpu.memory_space<vmem>> -> memref<128xi32, #tpu.memory_space<vmem>>
      %dma_wait3A_160 = arith.constant 0 : i32
      %dma_wait3A_161 = arith.constant 0 : i32
      %dma_wait3A_162 = tpu.memref_slice %arg4[%dma_wait3A_160, %dma_wait3A_161] : memref<10000x64xbf16, #tpu.memory_space<hbm>> -> memref<10000x64xbf16, #tpu.memory_space<hbm>>
      %dma_wait3A_163 = tpu.memref_slice %arg14[%rem3A_152] : memref<3x!tpu.dma_semaphore, #tpu.memory_space<semaphore_mem>> -> memref<1x!tpu.dma_semaphore, #tpu.memory_space<semaphore_mem>>
      %dma_wait3A_164 = tpu.memref_squeeze %dma_wait3A_163 : memref<1x!tpu.dma_semaphore, #tpu.memory_space<semaphore_mem>> -> memref<!tpu.dma_semaphore, #tpu.memory_space<semaphore_mem>>
      tpu.wait_indirect_dma semaphore(%dma_wait3A_164 : memref<!tpu.dma_semaphore, #tpu.memory_space<semaphore_mem>>) src(%dma_wait3A_162 : memref<10000x64xbf16, #tpu.memory_space<hbm>>) dst(%dma_wait3A_156 : memref<128x64xbf16, #tpu.memory_space<vmem>>)
      %rem3A_165 = arith.constant 3 : i32
      %rem3A_166 = arith.remsi %while3A_150, %rem3A_165 : i32
      %dma_start3A_167 = arith.constant 0 : i32
      %dma_start3A_168 = arith.constant 0 : i32
      %dma_start3A_169 = tpu.memref_slice %arg12[%rem3A_166, %dma_start3A_167, %dma_start3A_168] : memref<3x128x64xbf16, #tpu.memory_space<vmem>> -> memref<1x128x64xbf16, #tpu.memory_space<vmem>>
      %dma_start3A_170 = tpu.memref_squeeze %dma_start3A_169 : memref<1x128x64xbf16, #tpu.memory_space<vmem>> -> memref<128x64xbf16, #tpu.memory_space<vmem>>
      %dma_start3A_171 = arith.constant 0 : i32
      %dma_start3A_172 = tpu.memref_slice %arg11[%while3A_150, %dma_start3A_171] : memref<105x128xi32, #tpu.memory_space<vmem>> -> memref<1x128xi32, #tpu.memory_space<vmem>>
      %dma_start3A_173 = tpu.memref_squeeze %dma_start3A_172 : memref<1x128xi32, #tpu.memory_space<vmem>> -> memref<128xi32, #tpu.memory_space<vmem>>
      %dma_start3A_174 = arith.constant 0 : i32
      %dma_start3A_175 = arith.constant 0 : i32
      %dma_start3A_176 = tpu.memref_slice %arg13[%dma_start3A_174, %dma_start3A_175] : memref<10240x64xbf16, #tpu.memory_space<vmem_shared>> -> memref<10240x64xbf16, #tpu.memory_space<vmem_shared>>
      %dma_start3A_177 = tpu.memref_slice %arg15[%rem3A_166] : memref<3x!tpu.dma_semaphore, #tpu.memory_space<semaphore_mem>> -> memref<1x!tpu.dma_semaphore, #tpu.memory_space<semaphore_mem>>
      %dma_start3A_178 = tpu.memref_squeeze %dma_start3A_177 : memref<1x!tpu.dma_semaphore, #tpu.memory_space<semaphore_mem>> -> memref<!tpu.dma_semaphore, #tpu.memory_space<semaphore_mem>>
      tpu.enqueue_indirect_dma source(%dma_start3A_170 : memref<128x64xbf16, #tpu.memory_space<vmem>>) target(%dma_start3A_176 : memref<10240x64xbf16, #tpu.memory_space<vmem_shared>>) offsets(%dma_start3A_173 : memref<128xi32, #tpu.memory_space<vmem>>) semaphore(%dma_start3A_178 : memref<!tpu.dma_semaphore, #tpu.memory_space<semaphore_mem>>) {add = true}
      %rem3A_179 = arith.constant 3 : i32
      %rem3A_180 = arith.remsi %while3A_150, %rem3A_179 : i32
      %dma_start3A_181 = arith.constant 0 : i32
      %dma_start3A_182 = tpu.memref_slice %arg11[%while3A_150, %dma_start3A_181] : memref<105x128xi32, #tpu.memory_space<vmem>> -> memref<1x128xi32, #tpu.memory_space<vmem>>
      %dma_start3A_183 = tpu.memref_squeeze %dma_start3A_182 : memref<1x128xi32, #tpu.memory_space<vmem>> -> memref<128xi32, #tpu.memory_space<vmem>>
      %dma_start3A_184 = arith.constant 0 : i32
      %dma_start3A_185 = arith.constant 0 : i32
      %dma_start3A_186 = tpu.memref_slice %arg17[%dma_start3A_184, %dma_start3A_185] : memref<10240x8xf32, #tpu.memory_space<vmem_shared>> -> memref<10240x8xf32, #tpu.memory_space<vmem_shared>>
      %dma_start3A_187 = tpu.memref_slice %arg18[%rem3A_180] : memref<3x!tpu.dma_semaphore, #tpu.memory_space<semaphore_mem>> -> memref<1x!tpu.dma_semaphore, #tpu.memory_space<semaphore_mem>>
      %dma_start3A_188 = tpu.memref_squeeze %dma_start3A_187 : memref<1x!tpu.dma_semaphore, #tpu.memory_space<semaphore_mem>> -> memref<!tpu.dma_semaphore, #tpu.memory_space<semaphore_mem>>
      tpu.enqueue_indirect_dma source(%arg16 : memref<128x8xf32, #tpu.memory_space<vmem>>) target(%dma_start3A_186 : memref<10240x8xf32, #tpu.memory_space<vmem_shared>>) offsets(%dma_start3A_183 : memref<128xi32, #tpu.memory_space<vmem>>) semaphore(%dma_start3A_188 : memref<!tpu.dma_semaphore, #tpu.memory_space<semaphore_mem>>) {add = true}
      %add3A_189 = arith.constant 3 : i32
      %add3A_190 = arith.addi %while3A_150, %add3A_189 : i32
      %sub3A_191 = arith.constant 1 : i32
      %sub3A_192 = arith.subi %add3A_190, %sub3A_191 : i32
      %lt3A = arith.cmpi slt, %sub3A_192, %select_n3A_2 : i32
      %convert_element_type3A = arith.extui %lt3A : i1 to i32
      %cond3A = arith.constant 0 : i32
      %cond3A_193 = arith.cmpi ne, %convert_element_type3A, %cond3A : i32
      scf.if %cond3A_193 {
        %ge3A = arith.constant 1 : i32
        %ge3A_194 = arith.cmpi sge, %while3A_150, %ge3A : i32
        %convert_element_type3A_195 = arith.extui %ge3A_194 : i1 to i32
        %cond3A_196 = arith.constant 0 : i32
        %cond3A_197 = arith.cmpi ne, %convert_element_type3A_195, %cond3A_196 : i32
        scf.if %cond3A_197 {
          %sub3A_216 = arith.constant 1 : i32
          %sub3A_217 = arith.subi %while3A_150, %sub3A_216 : i32
          %rem3A_218 = arith.constant 3 : i32
          %rem3A_219 = arith.remsi %sub3A_217, %rem3A_218 : i32
          %dma_wait3A_220 = arith.constant 0 : i32
          %dma_wait3A_221 = arith.constant 0 : i32
          %dma_wait3A_222 = tpu.memref_slice %arg12[%rem3A_219, %dma_wait3A_220, %dma_wait3A_221] : memref<3x128x64xbf16, #tpu.memory_space<vmem>> -> memref<1x128x64xbf16, #tpu.memory_space<vmem>>
          %dma_wait3A_223 = tpu.memref_squeeze %dma_wait3A_222 : memref<1x128x64xbf16, #tpu.memory_space<vmem>> -> memref<128x64xbf16, #tpu.memory_space<vmem>>
          %dma_wait3A_224 = arith.constant 0 : i32
          %dma_wait3A_225 = tpu.memref_slice %arg11[%sub3A_217, %dma_wait3A_224] : memref<105x128xi32, #tpu.memory_space<vmem>> -> memref<1x128xi32, #tpu.memory_space<vmem>>
          %dma_wait3A_226 = tpu.memref_squeeze %dma_wait3A_225 : memref<1x128xi32, #tpu.memory_space<vmem>> -> memref<128xi32, #tpu.memory_space<vmem>>
          %dma_wait3A_227 = arith.constant 0 : i32
          %dma_wait3A_228 = arith.constant 0 : i32
          %dma_wait3A_229 = tpu.memref_slice %arg13[%dma_wait3A_227, %dma_wait3A_228] : memref<10240x64xbf16, #tpu.memory_space<vmem_shared>> -> memref<10240x64xbf16, #tpu.memory_space<vmem_shared>>
          %dma_wait3A_230 = tpu.memref_slice %arg15[%rem3A_219] : memref<3x!tpu.dma_semaphore, #tpu.memory_space<semaphore_mem>> -> memref<1x!tpu.dma_semaphore, #tpu.memory_space<semaphore_mem>>
          %dma_wait3A_231 = tpu.memref_squeeze %dma_wait3A_230 : memref<1x!tpu.dma_semaphore, #tpu.memory_space<semaphore_mem>> -> memref<!tpu.dma_semaphore, #tpu.memory_space<semaphore_mem>>
          tpu.wait_indirect_dma semaphore(%dma_wait3A_231 : memref<!tpu.dma_semaphore, #tpu.memory_space<semaphore_mem>>) src(%dma_wait3A_223 : memref<128x64xbf16, #tpu.memory_space<vmem>>) dst(%dma_wait3A_229 : memref<10240x64xbf16, #tpu.memory_space<vmem_shared>>)
          %sub3A_232 = arith.constant 1 : i32
          %sub3A_233 = arith.subi %while3A_150, %sub3A_232 : i32
          %rem3A_234 = arith.constant 3 : i32
          %rem3A_235 = arith.remsi %sub3A_233, %rem3A_234 : i32
          %dma_wait3A_236 = arith.constant 0 : i32
          %dma_wait3A_237 = tpu.memref_slice %arg11[%sub3A_233, %dma_wait3A_236] : memref<105x128xi32, #tpu.memory_space<vmem>> -> memref<1x128xi32, #tpu.memory_space<vmem>>
          %dma_wait3A_238 = tpu.memref_squeeze %dma_wait3A_237 : memref<1x128xi32, #tpu.memory_space<vmem>> -> memref<128xi32, #tpu.memory_space<vmem>>
          %dma_wait3A_239 = arith.constant 0 : i32
          %dma_wait3A_240 = arith.constant 0 : i32
          %dma_wait3A_241 = tpu.memref_slice %arg17[%dma_wait3A_239, %dma_wait3A_240] : memref<10240x8xf32, #tpu.memory_space<vmem_shared>> -> memref<10240x8xf32, #tpu.memory_space<vmem_shared>>
          %dma_wait3A_242 = tpu.memref_slice %arg18[%rem3A_235] : memref<3x!tpu.dma_semaphore, #tpu.memory_space<semaphore_mem>> -> memref<1x!tpu.dma_semaphore, #tpu.memory_space<semaphore_mem>>
          %dma_wait3A_243 = tpu.memref_squeeze %dma_wait3A_242 : memref<1x!tpu.dma_semaphore, #tpu.memory_space<semaphore_mem>> -> memref<!tpu.dma_semaphore, #tpu.memory_space<semaphore_mem>>
          tpu.wait_indirect_dma semaphore(%dma_wait3A_243 : memref<!tpu.dma_semaphore, #tpu.memory_space<semaphore_mem>>) src(%arg16 : memref<128x8xf32, #tpu.memory_space<vmem>>) dst(%dma_wait3A_241 : memref<10240x8xf32, #tpu.memory_space<vmem_shared>>)
        } else {
        }
        %add3A_198 = arith.constant 3 : i32
        %add3A_199 = arith.addi %while3A_150, %add3A_198 : i32
        %sub3A_200 = arith.constant 1 : i32
        %sub3A_201 = arith.subi %add3A_199, %sub3A_200 : i32
        %rem3A_202 = arith.constant 3 : i32
        %rem3A_203 = arith.remsi %sub3A_201, %rem3A_202 : i32
        %dma_start3A_204 = arith.constant 0 : i32
        %dma_start3A_205 = arith.constant 0 : i32
        %dma_start3A_206 = tpu.memref_slice %arg12[%rem3A_203, %dma_start3A_204, %dma_start3A_205] : memref<3x128x64xbf16, #tpu.memory_space<vmem>> -> memref<1x128x64xbf16, #tpu.memory_space<vmem>>
        %dma_start3A_207 = tpu.memref_squeeze %dma_start3A_206 : memref<1x128x64xbf16, #tpu.memory_space<vmem>> -> memref<128x64xbf16, #tpu.memory_space<vmem>>
        %dma_start3A_208 = arith.constant 0 : i32
        %dma_start3A_209 = tpu.memref_slice %arg10[%sub3A_201, %dma_start3A_208] : memref<105x128xi32, #tpu.memory_space<vmem>> -> memref<1x128xi32, #tpu.memory_space<vmem>>
        %dma_start3A_210 = tpu.memref_squeeze %dma_start3A_209 : memref<1x128xi32, #tpu.memory_space<vmem>> -> memref<128xi32, #tpu.memory_space<vmem>>
        %dma_start3A_211 = arith.constant 0 : i32
        %dma_start3A_212 = arith.constant 0 : i32
        %dma_start3A_213 = tpu.memref_slice %arg4[%dma_start3A_211, %dma_start3A_212] : memref<10000x64xbf16, #tpu.memory_space<hbm>> -> memref<10000x64xbf16, #tpu.memory_space<hbm>>
        %dma_start3A_214 = tpu.memref_slice %arg14[%rem3A_203] : memref<3x!tpu.dma_semaphore, #tpu.memory_space<semaphore_mem>> -> memref<1x!tpu.dma_semaphore, #tpu.memory_space<semaphore_mem>>
        %dma_start3A_215 = tpu.memref_squeeze %dma_start3A_214 : memref<1x!tpu.dma_semaphore, #tpu.memory_space<semaphore_mem>> -> memref<!tpu.dma_semaphore, #tpu.memory_space<semaphore_mem>>
        tpu.enqueue_indirect_dma source(%dma_start3A_213 : memref<10000x64xbf16, #tpu.memory_space<hbm>>) target(%dma_start3A_207 : memref<128x64xbf16, #tpu.memory_space<vmem>>) offsets(%dma_start3A_210 : memref<128xi32, #tpu.memory_space<vmem>>) semaphore(%dma_start3A_215 : memref<!tpu.dma_semaphore, #tpu.memory_space<semaphore_mem>>)
      } else {
      }
    }
    %sub3A = arith.constant 3 : i32
    %sub3A_53 = arith.subi %select_n3A_2, %sub3A : i32
    %add3A_54 = arith.constant 0 : i32
    %add3A_55 = arith.addi %sub3A_53, %add3A_54 : i32
    %rem3A_56 = arith.constant 3 : i32
    %rem3A_57 = arith.remsi %add3A_55, %rem3A_56 : i32
    %dma_wait3A = arith.constant 0 : i32
    %dma_wait3A_58 = arith.constant 0 : i32
    %dma_wait3A_59 = tpu.memref_slice %arg12[%rem3A_57, %dma_wait3A, %dma_wait3A_58] : memref<3x128x64xbf16, #tpu.memory_space<vmem>> -> memref<1x128x64xbf16, #tpu.memory_space<vmem>>
    %dma_wait3A_60 = tpu.memref_squeeze %dma_wait3A_59 : memref<1x128x64xbf16, #tpu.memory_space<vmem>> -> memref<128x64xbf16, #tpu.memory_space<vmem>>
    %dma_wait3A_61 = arith.constant 0 : i32
    %dma_wait3A_62 = tpu.memref_slice %arg11[%add3A_55, %dma_wait3A_61] : memref<105x128xi32, #tpu.memory_space<vmem>> -> memref<1x128xi32, #tpu.memory_space<vmem>>
    %dma_wait3A_63 = tpu.memref_squeeze %dma_wait3A_62 : memref<1x128xi32, #tpu.memory_space<vmem>> -> memref<128xi32, #tpu.memory_space<vmem>>
    %dma_wait3A_64 = arith.constant 0 : i32
    %dma_wait3A_65 = arith.constant 0 : i32
    %dma_wait3A_66 = tpu.memref_slice %arg13[%dma_wait3A_64, %dma_wait3A_65] : memref<10240x64xbf16, #tpu.memory_space<vmem_shared>> -> memref<10240x64xbf16, #tpu.memory_space<vmem_shared>>
    %dma_wait3A_67 = tpu.memref_slice %arg15[%rem3A_57] : memref<3x!tpu.dma_semaphore, #tpu.memory_space<semaphore_mem>> -> memref<1x!tpu.dma_semaphore, #tpu.memory_space<semaphore_mem>>
    %dma_wait3A_68 = tpu.memref_squeeze %dma_wait3A_67 : memref<1x!tpu.dma_semaphore, #tpu.memory_space<semaphore_mem>> -> memref<!tpu.dma_semaphore, #tpu.memory_space<semaphore_mem>>
    tpu.wait_indirect_dma semaphore(%dma_wait3A_68 : memref<!tpu.dma_semaphore, #tpu.memory_space<semaphore_mem>>) src(%dma_wait3A_60 : memref<128x64xbf16, #tpu.memory_space<vmem>>) dst(%dma_wait3A_66 : memref<10240x64xbf16, #tpu.memory_space<vmem_shared>>)
    %sub3A_69 = arith.constant 3 : i32
    %sub3A_70 = arith.subi %select_n3A_2, %sub3A_69 : i32
    %add3A_71 = arith.constant 0 : i32
    %add3A_72 = arith.addi %sub3A_70, %add3A_71 : i32
    %rem3A_73 = arith.constant 3 : i32
    %rem3A_74 = arith.remsi %add3A_72, %rem3A_73 : i32
    %dma_wait3A_75 = arith.constant 0 : i32
    %dma_wait3A_76 = tpu.memref_slice %arg11[%add3A_72, %dma_wait3A_75] : memref<105x128xi32, #tpu.memory_space<vmem>> -> memref<1x128xi32, #tpu.memory_space<vmem>>
    %dma_wait3A_77 = tpu.memref_squeeze %dma_wait3A_76 : memref<1x128xi32, #tpu.memory_space<vmem>> -> memref<128xi32, #tpu.memory_space<vmem>>
    %dma_wait3A_78 = arith.constant 0 : i32
    %dma_wait3A_79 = arith.constant 0 : i32
    %dma_wait3A_80 = tpu.memref_slice %arg17[%dma_wait3A_78, %dma_wait3A_79] : memref<10240x8xf32, #tpu.memory_space<vmem_shared>> -> memref<10240x8xf32, #tpu.memory_space<vmem_shared>>
    %dma_wait3A_81 = tpu.memref_slice %arg18[%rem3A_74] : memref<3x!tpu.dma_semaphore, #tpu.memory_space<semaphore_mem>> -> memref<1x!tpu.dma_semaphore, #tpu.memory_space<semaphore_mem>>
    %dma_wait3A_82 = tpu.memref_squeeze %dma_wait3A_81 : memref<1x!tpu.dma_semaphore, #tpu.memory_space<semaphore_mem>> -> memref<!tpu.dma_semaphore, #tpu.memory_space<semaphore_mem>>
    tpu.wait_indirect_dma semaphore(%dma_wait3A_82 : memref<!tpu.dma_semaphore, #tpu.memory_space<semaphore_mem>>) src(%arg16 : memref<128x8xf32, #tpu.memory_space<vmem>>) dst(%dma_wait3A_80 : memref<10240x8xf32, #tpu.memory_space<vmem_shared>>)
    %sub3A_83 = arith.constant 3 : i32
    %sub3A_84 = arith.subi %select_n3A_2, %sub3A_83 : i32
    %add3A_85 = arith.constant 1 : i32
    %add3A_86 = arith.addi %sub3A_84, %add3A_85 : i32
    %rem3A_87 = arith.constant 3 : i32
    %rem3A_88 = arith.remsi %add3A_86, %rem3A_87 : i32
    %dma_wait3A_89 = arith.constant 0 : i32
    %dma_wait3A_90 = arith.constant 0 : i32
    %dma_wait3A_91 = tpu.memref_slice %arg12[%rem3A_88, %dma_wait3A_89, %dma_wait3A_90] : memref<3x128x64xbf16, #tpu.memory_space<vmem>> -> memref<1x128x64xbf16, #tpu.memory_space<vmem>>
    %dma_wait3A_92 = tpu.memref_squeeze %dma_wait3A_91 : memref<1x128x64xbf16, #tpu.memory_space<vmem>> -> memref<128x64xbf16, #tpu.memory_space<vmem>>
    %dma_wait3A_93 = arith.constant 0 : i32
    %dma_wait3A_94 = tpu.memref_slice %arg11[%add3A_86, %dma_wait3A_93] : memref<105x128xi32, #tpu.memory_space<vmem>> -> memref<1x128xi32, #tpu.memory_space<vmem>>
    %dma_wait3A_95 = tpu.memref_squeeze %dma_wait3A_94 : memref<1x128xi32, #tpu.memory_space<vmem>> -> memref<128xi32, #tpu.memory_space<vmem>>
    %dma_wait3A_96 = arith.constant 0 : i32
    %dma_wait3A_97 = arith.constant 0 : i32
    %dma_wait3A_98 = tpu.memref_slice %arg13[%dma_wait3A_96, %dma_wait3A_97] : memref<10240x64xbf16, #tpu.memory_space<vmem_shared>> -> memref<10240x64xbf16, #tpu.memory_space<vmem_shared>>
    %dma_wait3A_99 = tpu.memref_slice %arg15[%rem3A_88] : memref<3x!tpu.dma_semaphore, #tpu.memory_space<semaphore_mem>> -> memref<1x!tpu.dma_semaphore, #tpu.memory_space<semaphore_mem>>
    %dma_wait3A_100 = tpu.memref_squeeze %dma_wait3A_99 : memref<1x!tpu.dma_semaphore, #tpu.memory_space<semaphore_mem>> -> memref<!tpu.dma_semaphore, #tpu.memory_space<semaphore_mem>>
    tpu.wait_indirect_dma semaphore(%dma_wait3A_100 : memref<!tpu.dma_semaphore, #tpu.memory_space<semaphore_mem>>) src(%dma_wait3A_92 : memref<128x64xbf16, #tpu.memory_space<vmem>>) dst(%dma_wait3A_98 : memref<10240x64xbf16, #tpu.memory_space<vmem_shared>>)
    %sub3A_101 = arith.constant 3 : i32
    %sub3A_102 = arith.subi %select_n3A_2, %sub3A_101 : i32
    %add3A_103 = arith.constant 1 : i32
    %add3A_104 = arith.addi %sub3A_102, %add3A_103 : i32
    %rem3A_105 = arith.constant 3 : i32
    %rem3A_106 = arith.remsi %add3A_104, %rem3A_105 : i32
    %dma_wait3A_107 = arith.constant 0 : i32
    %dma_wait3A_108 = tpu.memref_slice %arg11[%add3A_104, %dma_wait3A_107] : memref<105x128xi32, #tpu.memory_space<vmem>> -> memref<1x128xi32, #tpu.memory_space<vmem>>
    %dma_wait3A_109 = tpu.memref_squeeze %dma_wait3A_108 : memref<1x128xi32, #tpu.memory_space<vmem>> -> memref<128xi32, #tpu.memory_space<vmem>>
    %dma_wait3A_110 = arith.constant 0 : i32
    %dma_wait3A_111 = arith.constant 0 : i32
    %dma_wait3A_112 = tpu.memref_slice %arg17[%dma_wait3A_110, %dma_wait3A_111] : memref<10240x8xf32, #tpu.memory_space<vmem_shared>> -> memref<10240x8xf32, #tpu.memory_space<vmem_shared>>
    %dma_wait3A_113 = tpu.memref_slice %arg18[%rem3A_106] : memref<3x!tpu.dma_semaphore, #tpu.memory_space<semaphore_mem>> -> memref<1x!tpu.dma_semaphore, #tpu.memory_space<semaphore_mem>>
    %dma_wait3A_114 = tpu.memref_squeeze %dma_wait3A_113 : memref<1x!tpu.dma_semaphore, #tpu.memory_space<semaphore_mem>> -> memref<!tpu.dma_semaphore, #tpu.memory_space<semaphore_mem>>
    tpu.wait_indirect_dma semaphore(%dma_wait3A_114 : memref<!tpu.dma_semaphore, #tpu.memory_space<semaphore_mem>>) src(%arg16 : memref<128x8xf32, #tpu.memory_space<vmem>>) dst(%dma_wait3A_112 : memref<10240x8xf32, #tpu.memory_space<vmem_shared>>)
    %sub3A_115 = arith.constant 3 : i32
    %sub3A_116 = arith.subi %select_n3A_2, %sub3A_115 : i32
    %add3A_117 = arith.constant 2 : i32
    %add3A_118 = arith.addi %sub3A_116, %add3A_117 : i32
    %rem3A_119 = arith.constant 3 : i32
    %rem3A_120 = arith.remsi %add3A_118, %rem3A_119 : i32
    %dma_wait3A_121 = arith.constant 0 : i32
    %dma_wait3A_122 = arith.constant 0 : i32
    %dma_wait3A_123 = tpu.memref_slice %arg12[%rem3A_120, %dma_wait3A_121, %dma_wait3A_122] : memref<3x128x64xbf16, #tpu.memory_space<vmem>> -> memref<1x128x64xbf16, #tpu.memory_space<vmem>>
    %dma_wait3A_124 = tpu.memref_squeeze %dma_wait3A_123 : memref<1x128x64xbf16, #tpu.memory_space<vmem>> -> memref<128x64xbf16, #tpu.memory_space<vmem>>
    %dma_wait3A_125 = arith.constant 0 : i32
    %dma_wait3A_126 = tpu.memref_slice %arg11[%add3A_118, %dma_wait3A_125] : memref<105x128xi32, #tpu.memory_space<vmem>> -> memref<1x128xi32, #tpu.memory_space<vmem>>
    %dma_wait3A_127 = tpu.memref_squeeze %dma_wait3A_126 : memref<1x128xi32, #tpu.memory_space<vmem>> -> memref<128xi32, #tpu.memory_space<vmem>>
    %dma_wait3A_128 = arith.constant 0 : i32
    %dma_wait3A_129 = arith.constant 0 : i32
    %dma_wait3A_130 = tpu.memref_slice %arg13[%dma_wait3A_128, %dma_wait3A_129] : memref<10240x64xbf16, #tpu.memory_space<vmem_shared>> -> memref<10240x64xbf16, #tpu.memory_space<vmem_shared>>
    %dma_wait3A_131 = tpu.memref_slice %arg15[%rem3A_120] : memref<3x!tpu.dma_semaphore, #tpu.memory_space<semaphore_mem>> -> memref<1x!tpu.dma_semaphore, #tpu.memory_space<semaphore_mem>>
    %dma_wait3A_132 = tpu.memref_squeeze %dma_wait3A_131 : memref<1x!tpu.dma_semaphore, #tpu.memory_space<semaphore_mem>> -> memref<!tpu.dma_semaphore, #tpu.memory_space<semaphore_mem>>
    tpu.wait_indirect_dma semaphore(%dma_wait3A_132 : memref<!tpu.dma_semaphore, #tpu.memory_space<semaphore_mem>>) src(%dma_wait3A_124 : memref<128x64xbf16, #tpu.memory_space<vmem>>) dst(%dma_wait3A_130 : memref<10240x64xbf16, #tpu.memory_space<vmem_shared>>)
    %sub3A_133 = arith.constant 3 : i32
    %sub3A_134 = arith.subi %select_n3A_2, %sub3A_133 : i32
    %add3A_135 = arith.constant 2 : i32
    %add3A_136 = arith.addi %sub3A_134, %add3A_135 : i32
    %rem3A_137 = arith.constant 3 : i32
    %rem3A_138 = arith.remsi %add3A_136, %rem3A_137 : i32
    %dma_wait3A_139 = arith.constant 0 : i32
    %dma_wait3A_140 = tpu.memref_slice %arg11[%add3A_136, %dma_wait3A_139] : memref<105x128xi32, #tpu.memory_space<vmem>> -> memref<1x128xi32, #tpu.memory_space<vmem>>
    %dma_wait3A_141 = tpu.memref_squeeze %dma_wait3A_140 : memref<1x128xi32, #tpu.memory_space<vmem>> -> memref<128xi32, #tpu.memory_space<vmem>>
    %dma_wait3A_142 = arith.constant 0 : i32
    %dma_wait3A_143 = arith.constant 0 : i32
    %dma_wait3A_144 = tpu.memref_slice %arg17[%dma_wait3A_142, %dma_wait3A_143] : memref<10240x8xf32, #tpu.memory_space<vmem_shared>> -> memref<10240x8xf32, #tpu.memory_space<vmem_shared>>
    %dma_wait3A_145 = tpu.memref_slice %arg18[%rem3A_138] : memref<3x!tpu.dma_semaphore, #tpu.memory_space<semaphore_mem>> -> memref<1x!tpu.dma_semaphore, #tpu.memory_space<semaphore_mem>>
    %dma_wait3A_146 = tpu.memref_squeeze %dma_wait3A_145 : memref<1x!tpu.dma_semaphore, #tpu.memory_space<semaphore_mem>> -> memref<!tpu.dma_semaphore, #tpu.memory_space<semaphore_mem>>
    tpu.wait_indirect_dma semaphore(%dma_wait3A_146 : memref<!tpu.dma_semaphore, #tpu.memory_space<semaphore_mem>>) src(%arg16 : memref<128x8xf32, #tpu.memory_space<vmem>>) dst(%dma_wait3A_144 : memref<10240x8xf32, #tpu.memory_space<vmem_shared>>)
    %barrier3A_147 = arith.constant 0 : index
    tpu.barrier barrier_id(%barrier3A_147)
    %mul3A_148 = arith.constant 640 : i32
    %mul3A_149 = arith.muli %arg1, %mul3A_148 : i32
    "tpu.region"() ({
      %run_scoped3A = tpu.sem_alloc : memref<!tpu.dma_semaphore, #tpu.memory_space<semaphore_mem>>
      %dma_start3A_150 = arith.constant 0 : i32
      %dma_start3A_151 = tpu.memref_slice %arg8[%arg0, %mul3A_149, %dma_start3A_150] : memref<2x10240x64xbf16, #tpu.memory_space<hbm>> -> memref<1x640x64xbf16, #tpu.memory_space<hbm>>
      %dma_start3A_152 = tpu.memref_squeeze %dma_start3A_151 : memref<1x640x64xbf16, #tpu.memory_space<hbm>> -> memref<640x64xbf16, #tpu.memory_space<hbm>>
      %dma_start3A_153 = arith.constant 0 : i32
      %dma_start3A_154 = tpu.memref_slice %arg13[%mul3A_149, %dma_start3A_153] : memref<10240x64xbf16, #tpu.memory_space<vmem_shared>> -> memref<640x64xbf16, #tpu.memory_space<vmem_shared>>
      tpu.enqueue_dma source(%dma_start3A_154 : memref<640x64xbf16, #tpu.memory_space<vmem_shared>>) target(%dma_start3A_152 : memref<640x64xbf16, #tpu.memory_space<hbm>>) target_semaphore(%run_scoped3A : memref<!tpu.dma_semaphore, #tpu.memory_space<semaphore_mem>>)
      %dma_wait3A_155 = arith.constant 0 : i32
      %dma_wait3A_156 = tpu.memref_slice %arg8[%arg0, %mul3A_149, %dma_wait3A_155] : memref<2x10240x64xbf16, #tpu.memory_space<hbm>> -> memref<1x640x64xbf16, #tpu.memory_space<hbm>>
      %dma_wait3A_157 = tpu.memref_squeeze %dma_wait3A_156 : memref<1x640x64xbf16, #tpu.memory_space<hbm>> -> memref<640x64xbf16, #tpu.memory_space<hbm>>
      %dma_wait3A_158 = arith.constant 0 : i32
      %dma_wait3A_159 = tpu.memref_slice %arg13[%mul3A_149, %dma_wait3A_158] : memref<10240x64xbf16, #tpu.memory_space<vmem_shared>> -> memref<640x64xbf16, #tpu.memory_space<vmem_shared>>
      tpu.wait_dma2 semaphore(%run_scoped3A : memref<!tpu.dma_semaphore, #tpu.memory_space<semaphore_mem>>) src(%dma_wait3A_159 : memref<640x64xbf16, #tpu.memory_space<vmem_shared>>) dst(%dma_wait3A_157 : memref<640x64xbf16, #tpu.memory_space<hbm>>)
      tpu.yield
    }) : () -> ()
    "tpu.region"() ({
      %run_scoped3A = tpu.sem_alloc : memref<!tpu.dma_semaphore, #tpu.memory_space<semaphore_mem>>
      %dma_start3A_150 = arith.constant 0 : i32
      %dma_start3A_151 = tpu.memref_slice %arg9[%arg0, %mul3A_149, %dma_start3A_150] : memref<2x10240x8xf32, #tpu.memory_space<hbm>> -> memref<1x640x8xf32, #tpu.memory_space<hbm>>
      %dma_start3A_152 = tpu.memref_squeeze %dma_start3A_151 : memref<1x640x8xf32, #tpu.memory_space<hbm>> -> memref<640x8xf32, #tpu.memory_space<hbm>>
      %dma_start3A_153 = arith.constant 0 : i32
      %dma_start3A_154 = tpu.memref_slice %arg17[%mul3A_149, %dma_start3A_153] : memref<10240x8xf32, #tpu.memory_space<vmem_shared>> -> memref<640x8xf32, #tpu.memory_space<vmem_shared>>
      tpu.enqueue_dma source(%dma_start3A_154 : memref<640x8xf32, #tpu.memory_space<vmem_shared>>) target(%dma_start3A_152 : memref<640x8xf32, #tpu.memory_space<hbm>>) target_semaphore(%run_scoped3A : memref<!tpu.dma_semaphore, #tpu.memory_space<semaphore_mem>>)
      %dma_wait3A_155 = arith.constant 0 : i32
      %dma_wait3A_156 = tpu.memref_slice %arg9[%arg0, %mul3A_149, %dma_wait3A_155] : memref<2x10240x8xf32, #tpu.memory_space<hbm>> -> memref<1x640x8xf32, #tpu.memory_space<hbm>>
      %dma_wait3A_157 = tpu.memref_squeeze %dma_wait3A_156 : memref<1x640x8xf32, #tpu.memory_space<hbm>> -> memref<640x8xf32, #tpu.memory_space<hbm>>
      %dma_wait3A_158 = arith.constant 0 : i32
      %dma_wait3A_159 = tpu.memref_slice %arg17[%mul3A_149, %dma_wait3A_158] : memref<10240x8xf32, #tpu.memory_space<vmem_shared>> -> memref<640x8xf32, #tpu.memory_space<vmem_shared>>
      tpu.wait_dma2 semaphore(%run_scoped3A : memref<!tpu.dma_semaphore, #tpu.memory_space<semaphore_mem>>) src(%dma_wait3A_159 : memref<640x8xf32, #tpu.memory_space<vmem_shared>>) dst(%dma_wait3A_157 : memref<640x8xf32, #tpu.memory_space<hbm>>)
      tpu.yield
    }) : () -> ()
    return
  }
}

#map = affine_map<(d0, d1) -> (0, 0)>
#map1 = affine_map<(d0, d1) -> (0, 0, 0)>
module attributes {stable_mosaic.version = 14 : i64} {
  func.func @body(%arg0: i32, %arg1: i32, %arg2: memref<2633x128xi32, #tpu.memory_space<hbm>>, %arg3: memref<2633x128xi32, #tpu.memory_space<hbm>>, %arg4: memref<10000x32xbf16, #tpu.memory_space<hbm>>, %arg5: memref<640x32xbf16, #tpu.memory_space<hbm>>, %arg6: memref<640x8xf32, #tpu.memory_space<hbm>>, %arg7: memref<128x8xf32, #tpu.memory_space<hbm>>, %arg8: memref<2x10240x32xbf16, #tpu.memory_space<hbm>>, %arg9: memref<105x128xi32, #tpu.memory_space<vmem>>, %arg10: memref<105x128xi32, #tpu.memory_space<vmem>>, %arg11: memref<3x128x32xbf16, #tpu.memory_space<vmem>>, %arg12: memref<10240x32xbf16, #tpu.memory_space<vmem_shared>>, %arg13: memref<3x!tpu.dma_semaphore, #tpu.memory_space<semaphore_mem>>, %arg14: memref<3x!tpu.dma_semaphore, #tpu.memory_space<semaphore_mem>>) attributes {dimension_semantics = [#tpu.dimension_semantics<core_parallel>, #tpu.dimension_semantics<subcore_parallel>], iteration_bounds = array<i64: 2, 16>, scalar_prefetch = 0 : i64, scratch_operands = 6 : i64, tpu.core_type = #tpu.core_type<sc_vector_subcore>, window_params = [{transform_indices = #map}, {transform_indices = #map}, {transform_indices = #map}, {transform_indices = #map}, {transform_indices = #map}, {transform_indices = #map}, {transform_indices = #map1}]} {
    %eq3A = arith.constant 0 : i32
    %eq3A_0 = arith.cmpi eq, %arg0, %eq3A : i32
    %select_n3A = arith.constant 62 : i32
    %select_n3A_1 = arith.constant 96 : i32
    %select_n3A_2 = arith.select %eq3A_0, %select_n3A_1, %select_n3A : i32
    %eq3A_3 = arith.constant 0 : i32
    %eq3A_4 = arith.cmpi eq, %arg0, %eq3A_3 : i32
    %mul3A = arith.constant 96 : i32
    %mul3A_5 = arith.muli %arg1, %mul3A : i32
    %mul3A_6 = arith.constant 62 : i32
    %mul3A_7 = arith.muli %arg1, %mul3A_6 : i32
    %add3A = arith.constant 1536 : i32
    %add3A_8 = arith.addi %add3A, %mul3A_7 : i32
    %select_n3A_9 = arith.select %eq3A_4, %mul3A_5, %add3A_8 : i32
    "tpu.region"() ({
      %run_scoped3A = tpu.sem_alloc : memref<!tpu.dma_semaphore, #tpu.memory_space<semaphore_mem>>
      %dma_start3A_106 = arith.constant 0 : i32
      %dma_start3A_107 = tpu.memref_slice %arg2[%select_n3A_9, %dma_start3A_106] : memref<2633x128xi32, #tpu.memory_space<hbm>> -> memref<105x128xi32, #tpu.memory_space<hbm>>
      %dma_start3A_108 = arith.constant 0 : i32
      %dma_start3A_109 = tpu.memref_slice %arg2[%select_n3A_9, %dma_start3A_108] : memref<2633x128xi32, #tpu.memory_space<hbm>> -> memref<105x128xi32, #tpu.memory_space<hbm>>
      tpu.enqueue_dma source(%dma_start3A_109 : memref<105x128xi32, #tpu.memory_space<hbm>>) target(%arg9 : memref<105x128xi32, #tpu.memory_space<vmem>>) target_semaphore(%run_scoped3A : memref<!tpu.dma_semaphore, #tpu.memory_space<semaphore_mem>>)
      %dma_wait3A_110 = arith.constant 0 : i32
      %dma_wait3A_111 = tpu.memref_slice %arg2[%select_n3A_9, %dma_wait3A_110] : memref<2633x128xi32, #tpu.memory_space<hbm>> -> memref<105x128xi32, #tpu.memory_space<hbm>>
      %dma_wait3A_112 = arith.constant 0 : i32
      %dma_wait3A_113 = tpu.memref_slice %arg2[%select_n3A_9, %dma_wait3A_112] : memref<2633x128xi32, #tpu.memory_space<hbm>> -> memref<105x128xi32, #tpu.memory_space<hbm>>
      tpu.wait_dma2 semaphore(%run_scoped3A : memref<!tpu.dma_semaphore, #tpu.memory_space<semaphore_mem>>) src(%dma_wait3A_113 : memref<105x128xi32, #tpu.memory_space<hbm>>) dst(%arg9 : memref<105x128xi32, #tpu.memory_space<vmem>>)
      tpu.yield
    }) : () -> ()
    "tpu.region"() ({
      %run_scoped3A = tpu.sem_alloc : memref<!tpu.dma_semaphore, #tpu.memory_space<semaphore_mem>>
      %dma_start3A_106 = arith.constant 0 : i32
      %dma_start3A_107 = tpu.memref_slice %arg3[%select_n3A_9, %dma_start3A_106] : memref<2633x128xi32, #tpu.memory_space<hbm>> -> memref<105x128xi32, #tpu.memory_space<hbm>>
      %dma_start3A_108 = arith.constant 0 : i32
      %dma_start3A_109 = tpu.memref_slice %arg3[%select_n3A_9, %dma_start3A_108] : memref<2633x128xi32, #tpu.memory_space<hbm>> -> memref<105x128xi32, #tpu.memory_space<hbm>>
      tpu.enqueue_dma source(%dma_start3A_109 : memref<105x128xi32, #tpu.memory_space<hbm>>) target(%arg10 : memref<105x128xi32, #tpu.memory_space<vmem>>) target_semaphore(%run_scoped3A : memref<!tpu.dma_semaphore, #tpu.memory_space<semaphore_mem>>)
      %dma_wait3A_110 = arith.constant 0 : i32
      %dma_wait3A_111 = tpu.memref_slice %arg3[%select_n3A_9, %dma_wait3A_110] : memref<2633x128xi32, #tpu.memory_space<hbm>> -> memref<105x128xi32, #tpu.memory_space<hbm>>
      %dma_wait3A_112 = arith.constant 0 : i32
      %dma_wait3A_113 = tpu.memref_slice %arg3[%select_n3A_9, %dma_wait3A_112] : memref<2633x128xi32, #tpu.memory_space<hbm>> -> memref<105x128xi32, #tpu.memory_space<hbm>>
      tpu.wait_dma2 semaphore(%run_scoped3A : memref<!tpu.dma_semaphore, #tpu.memory_space<semaphore_mem>>) src(%dma_wait3A_113 : memref<105x128xi32, #tpu.memory_space<hbm>>) dst(%arg10 : memref<105x128xi32, #tpu.memory_space<vmem>>)
      tpu.yield
    }) : () -> ()
    %mul3A_10 = arith.constant 640 : i32
    %mul3A_11 = arith.muli %arg1, %mul3A_10 : i32
    "tpu.region"() ({
      %run_scoped3A = tpu.sem_alloc : memref<!tpu.dma_semaphore, #tpu.memory_space<semaphore_mem>>
      %dma_start3A_106 = arith.constant 0 : i32
      %dma_start3A_107 = tpu.memref_slice %arg12[%mul3A_11, %dma_start3A_106] : memref<10240x32xbf16, #tpu.memory_space<vmem_shared>> -> memref<640x32xbf16, #tpu.memory_space<vmem_shared>>
      tpu.enqueue_dma source(%arg5 : memref<640x32xbf16, #tpu.memory_space<hbm>>) target(%dma_start3A_107 : memref<640x32xbf16, #tpu.memory_space<vmem_shared>>) target_semaphore(%run_scoped3A : memref<!tpu.dma_semaphore, #tpu.memory_space<semaphore_mem>>)
      %dma_wait3A_108 = arith.constant 0 : i32
      %dma_wait3A_109 = tpu.memref_slice %arg12[%mul3A_11, %dma_wait3A_108] : memref<10240x32xbf16, #tpu.memory_space<vmem_shared>> -> memref<640x32xbf16, #tpu.memory_space<vmem_shared>>
      tpu.wait_dma2 semaphore(%run_scoped3A : memref<!tpu.dma_semaphore, #tpu.memory_space<semaphore_mem>>) src(%arg5 : memref<640x32xbf16, #tpu.memory_space<hbm>>) dst(%dma_wait3A_109 : memref<640x32xbf16, #tpu.memory_space<vmem_shared>>)
      tpu.yield
    }) : () -> ()
    %barrier3A = arith.constant 0 : index
    tpu.barrier barrier_id(%barrier3A)
    %rem3A = arith.constant 0 : i32
    %rem3A_12 = arith.constant 3 : i32
    %rem3A_13 = arith.remsi %rem3A, %rem3A_12 : i32
    %dma_start3A = arith.constant 0 : i32
    %dma_start3A_14 = arith.constant 0 : i32
    %dma_start3A_15 = arith.constant 0 : i32
    %dma_start3A_16 = tpu.memref_slice %arg11[%rem3A_13, %dma_start3A_14, %dma_start3A_15] : memref<3x128x32xbf16, #tpu.memory_space<vmem>> -> memref<1x128x32xbf16, #tpu.memory_space<vmem>>
    %dma_start3A_17 = tpu.memref_squeeze %dma_start3A_16 : memref<1x128x32xbf16, #tpu.memory_space<vmem>> -> memref<128x32xbf16, #tpu.memory_space<vmem>>
    %dma_start3A_18 = arith.constant 0 : i32
    %dma_start3A_19 = tpu.memref_slice %arg9[%dma_start3A, %dma_start3A_18] : memref<105x128xi32, #tpu.memory_space<vmem>> -> memref<1x128xi32, #tpu.memory_space<vmem>>
    %dma_start3A_20 = tpu.memref_squeeze %dma_start3A_19 : memref<1x128xi32, #tpu.memory_space<vmem>> -> memref<128xi32, #tpu.memory_space<vmem>>
    %dma_start3A_21 = arith.constant 0 : i32
    %dma_start3A_22 = arith.constant 0 : i32
    %dma_start3A_23 = tpu.memref_slice %arg4[%dma_start3A_21, %dma_start3A_22] : memref<10000x32xbf16, #tpu.memory_space<hbm>> -> memref<10000x32xbf16, #tpu.memory_space<hbm>>
    %dma_start3A_24 = tpu.memref_slice %arg13[%rem3A_13] : memref<3x!tpu.dma_semaphore, #tpu.memory_space<semaphore_mem>> -> memref<1x!tpu.dma_semaphore, #tpu.memory_space<semaphore_mem>>
    %dma_start3A_25 = tpu.memref_squeeze %dma_start3A_24 : memref<1x!tpu.dma_semaphore, #tpu.memory_space<semaphore_mem>> -> memref<!tpu.dma_semaphore, #tpu.memory_space<semaphore_mem>>
    tpu.enqueue_indirect_dma source(%dma_start3A_23 : memref<10000x32xbf16, #tpu.memory_space<hbm>>) target(%dma_start3A_17 : memref<128x32xbf16, #tpu.memory_space<vmem>>) offsets(%dma_start3A_20 : memref<128xi32, #tpu.memory_space<vmem>>) semaphore(%dma_start3A_25 : memref<!tpu.dma_semaphore, #tpu.memory_space<semaphore_mem>>)
    %rem3A_26 = arith.constant 1 : i32
    %rem3A_27 = arith.constant 3 : i32
    %rem3A_28 = arith.remsi %rem3A_26, %rem3A_27 : i32
    %dma_start3A_29 = arith.constant 1 : i32
    %dma_start3A_30 = arith.constant 0 : i32
    %dma_start3A_31 = arith.constant 0 : i32
    %dma_start3A_32 = tpu.memref_slice %arg11[%rem3A_28, %dma_start3A_30, %dma_start3A_31] : memref<3x128x32xbf16, #tpu.memory_space<vmem>> -> memref<1x128x32xbf16, #tpu.memory_space<vmem>>
    %dma_start3A_33 = tpu.memref_squeeze %dma_start3A_32 : memref<1x128x32xbf16, #tpu.memory_space<vmem>> -> memref<128x32xbf16, #tpu.memory_space<vmem>>
    %dma_start3A_34 = arith.constant 0 : i32
    %dma_start3A_35 = tpu.memref_slice %arg9[%dma_start3A_29, %dma_start3A_34] : memref<105x128xi32, #tpu.memory_space<vmem>> -> memref<1x128xi32, #tpu.memory_space<vmem>>
    %dma_start3A_36 = tpu.memref_squeeze %dma_start3A_35 : memref<1x128xi32, #tpu.memory_space<vmem>> -> memref<128xi32, #tpu.memory_space<vmem>>
    %dma_start3A_37 = arith.constant 0 : i32
    %dma_start3A_38 = arith.constant 0 : i32
    %dma_start3A_39 = tpu.memref_slice %arg4[%dma_start3A_37, %dma_start3A_38] : memref<10000x32xbf16, #tpu.memory_space<hbm>> -> memref<10000x32xbf16, #tpu.memory_space<hbm>>
    %dma_start3A_40 = tpu.memref_slice %arg13[%rem3A_28] : memref<3x!tpu.dma_semaphore, #tpu.memory_space<semaphore_mem>> -> memref<1x!tpu.dma_semaphore, #tpu.memory_space<semaphore_mem>>
    %dma_start3A_41 = tpu.memref_squeeze %dma_start3A_40 : memref<1x!tpu.dma_semaphore, #tpu.memory_space<semaphore_mem>> -> memref<!tpu.dma_semaphore, #tpu.memory_space<semaphore_mem>>
    tpu.enqueue_indirect_dma source(%dma_start3A_39 : memref<10000x32xbf16, #tpu.memory_space<hbm>>) target(%dma_start3A_33 : memref<128x32xbf16, #tpu.memory_space<vmem>>) offsets(%dma_start3A_36 : memref<128xi32, #tpu.memory_space<vmem>>) semaphore(%dma_start3A_41 : memref<!tpu.dma_semaphore, #tpu.memory_space<semaphore_mem>>)
    %while3A = arith.constant 0 : i32
    %while3A_42 = arith.constant 0 : i32
    %while3A_43 = arith.subi %select_n3A_2, %while3A_42 : i32
    %while3A_44 = arith.addi %while3A_42, %while3A_43 : i32
    %while3A_45 = arith.constant 1 : i32
    %while3A_46 = arith.divsi %while3A_43, %while3A_45 : i32
    %while3A_47 = arith.muli %while3A_46, %while3A_45 : i32
    %while3A_48 = arith.addi %while3A_42, %while3A_47 : i32
    %while3A_49 = arith.constant 1 : i32
    scf.for %while3A_106 = %while3A_42 to %while3A_48 step %while3A_49  : i32 {
      %rem3A_107 = arith.constant 3 : i32
      %rem3A_108 = arith.remsi %while3A_106, %rem3A_107 : i32
      %dma_wait3A_109 = arith.constant 0 : i32
      %dma_wait3A_110 = arith.constant 0 : i32
      %dma_wait3A_111 = tpu.memref_slice %arg11[%rem3A_108, %dma_wait3A_109, %dma_wait3A_110] : memref<3x128x32xbf16, #tpu.memory_space<vmem>> -> memref<1x128x32xbf16, #tpu.memory_space<vmem>>
      %dma_wait3A_112 = tpu.memref_squeeze %dma_wait3A_111 : memref<1x128x32xbf16, #tpu.memory_space<vmem>> -> memref<128x32xbf16, #tpu.memory_space<vmem>>
      %dma_wait3A_113 = arith.constant 0 : i32
      %dma_wait3A_114 = tpu.memref_slice %arg9[%while3A_106, %dma_wait3A_113] : memref<105x128xi32, #tpu.memory_space<vmem>> -> memref<1x128xi32, #tpu.memory_space<vmem>>
      %dma_wait3A_115 = tpu.memref_squeeze %dma_wait3A_114 : memref<1x128xi32, #tpu.memory_space<vmem>> -> memref<128xi32, #tpu.memory_space<vmem>>
      %dma_wait3A_116 = arith.constant 0 : i32
      %dma_wait3A_117 = arith.constant 0 : i32
      %dma_wait3A_118 = tpu.memref_slice %arg4[%dma_wait3A_116, %dma_wait3A_117] : memref<10000x32xbf16, #tpu.memory_space<hbm>> -> memref<10000x32xbf16, #tpu.memory_space<hbm>>
      %dma_wait3A_119 = tpu.memref_slice %arg13[%rem3A_108] : memref<3x!tpu.dma_semaphore, #tpu.memory_space<semaphore_mem>> -> memref<1x!tpu.dma_semaphore, #tpu.memory_space<semaphore_mem>>
      %dma_wait3A_120 = tpu.memref_squeeze %dma_wait3A_119 : memref<1x!tpu.dma_semaphore, #tpu.memory_space<semaphore_mem>> -> memref<!tpu.dma_semaphore, #tpu.memory_space<semaphore_mem>>
      tpu.wait_indirect_dma semaphore(%dma_wait3A_120 : memref<!tpu.dma_semaphore, #tpu.memory_space<semaphore_mem>>) src(%dma_wait3A_118 : memref<10000x32xbf16, #tpu.memory_space<hbm>>) dst(%dma_wait3A_112 : memref<128x32xbf16, #tpu.memory_space<vmem>>)
      %rem3A_121 = arith.constant 3 : i32
      %rem3A_122 = arith.remsi %while3A_106, %rem3A_121 : i32
      %dma_start3A_123 = arith.constant 0 : i32
      %dma_start3A_124 = arith.constant 0 : i32
      %dma_start3A_125 = tpu.memref_slice %arg11[%rem3A_122, %dma_start3A_123, %dma_start3A_124] : memref<3x128x32xbf16, #tpu.memory_space<vmem>> -> memref<1x128x32xbf16, #tpu.memory_space<vmem>>
      %dma_start3A_126 = tpu.memref_squeeze %dma_start3A_125 : memref<1x128x32xbf16, #tpu.memory_space<vmem>> -> memref<128x32xbf16, #tpu.memory_space<vmem>>
      %dma_start3A_127 = arith.constant 0 : i32
      %dma_start3A_128 = tpu.memref_slice %arg10[%while3A_106, %dma_start3A_127] : memref<105x128xi32, #tpu.memory_space<vmem>> -> memref<1x128xi32, #tpu.memory_space<vmem>>
      %dma_start3A_129 = tpu.memref_squeeze %dma_start3A_128 : memref<1x128xi32, #tpu.memory_space<vmem>> -> memref<128xi32, #tpu.memory_space<vmem>>
      %dma_start3A_130 = arith.constant 0 : i32
      %dma_start3A_131 = arith.constant 0 : i32
      %dma_start3A_132 = tpu.memref_slice %arg12[%dma_start3A_130, %dma_start3A_131] : memref<10240x32xbf16, #tpu.memory_space<vmem_shared>> -> memref<10240x32xbf16, #tpu.memory_space<vmem_shared>>
      %dma_start3A_133 = tpu.memref_slice %arg14[%rem3A_122] : memref<3x!tpu.dma_semaphore, #tpu.memory_space<semaphore_mem>> -> memref<1x!tpu.dma_semaphore, #tpu.memory_space<semaphore_mem>>
      %dma_start3A_134 = tpu.memref_squeeze %dma_start3A_133 : memref<1x!tpu.dma_semaphore, #tpu.memory_space<semaphore_mem>> -> memref<!tpu.dma_semaphore, #tpu.memory_space<semaphore_mem>>
      tpu.enqueue_indirect_dma source(%dma_start3A_126 : memref<128x32xbf16, #tpu.memory_space<vmem>>) target(%dma_start3A_132 : memref<10240x32xbf16, #tpu.memory_space<vmem_shared>>) offsets(%dma_start3A_129 : memref<128xi32, #tpu.memory_space<vmem>>) semaphore(%dma_start3A_134 : memref<!tpu.dma_semaphore, #tpu.memory_space<semaphore_mem>>) {add = true}
      %add3A_135 = arith.constant 3 : i32
      %add3A_136 = arith.addi %while3A_106, %add3A_135 : i32
      %sub3A_137 = arith.constant 1 : i32
      %sub3A_138 = arith.subi %add3A_136, %sub3A_137 : i32
      %lt3A = arith.cmpi slt, %sub3A_138, %select_n3A_2 : i32
      %convert_element_type3A = arith.extui %lt3A : i1 to i32
      %cond3A = arith.constant 0 : i32
      %cond3A_139 = arith.cmpi ne, %convert_element_type3A, %cond3A : i32
      scf.if %cond3A_139 {
        %ge3A = arith.constant 1 : i32
        %ge3A_140 = arith.cmpi sge, %while3A_106, %ge3A : i32
        %convert_element_type3A_141 = arith.extui %ge3A_140 : i1 to i32
        %cond3A_142 = arith.constant 0 : i32
        %cond3A_143 = arith.cmpi ne, %convert_element_type3A_141, %cond3A_142 : i32
        scf.if %cond3A_143 {
          %sub3A_162 = arith.constant 1 : i32
          %sub3A_163 = arith.subi %while3A_106, %sub3A_162 : i32
          %rem3A_164 = arith.constant 3 : i32
          %rem3A_165 = arith.remsi %sub3A_163, %rem3A_164 : i32
          %dma_wait3A_166 = arith.constant 0 : i32
          %dma_wait3A_167 = arith.constant 0 : i32
          %dma_wait3A_168 = tpu.memref_slice %arg11[%rem3A_165, %dma_wait3A_166, %dma_wait3A_167] : memref<3x128x32xbf16, #tpu.memory_space<vmem>> -> memref<1x128x32xbf16, #tpu.memory_space<vmem>>
          %dma_wait3A_169 = tpu.memref_squeeze %dma_wait3A_168 : memref<1x128x32xbf16, #tpu.memory_space<vmem>> -> memref<128x32xbf16, #tpu.memory_space<vmem>>
          %dma_wait3A_170 = arith.constant 0 : i32
          %dma_wait3A_171 = tpu.memref_slice %arg10[%sub3A_163, %dma_wait3A_170] : memref<105x128xi32, #tpu.memory_space<vmem>> -> memref<1x128xi32, #tpu.memory_space<vmem>>
          %dma_wait3A_172 = tpu.memref_squeeze %dma_wait3A_171 : memref<1x128xi32, #tpu.memory_space<vmem>> -> memref<128xi32, #tpu.memory_space<vmem>>
          %dma_wait3A_173 = arith.constant 0 : i32
          %dma_wait3A_174 = arith.constant 0 : i32
          %dma_wait3A_175 = tpu.memref_slice %arg12[%dma_wait3A_173, %dma_wait3A_174] : memref<10240x32xbf16, #tpu.memory_space<vmem_shared>> -> memref<10240x32xbf16, #tpu.memory_space<vmem_shared>>
          %dma_wait3A_176 = tpu.memref_slice %arg14[%rem3A_165] : memref<3x!tpu.dma_semaphore, #tpu.memory_space<semaphore_mem>> -> memref<1x!tpu.dma_semaphore, #tpu.memory_space<semaphore_mem>>
          %dma_wait3A_177 = tpu.memref_squeeze %dma_wait3A_176 : memref<1x!tpu.dma_semaphore, #tpu.memory_space<semaphore_mem>> -> memref<!tpu.dma_semaphore, #tpu.memory_space<semaphore_mem>>
          tpu.wait_indirect_dma semaphore(%dma_wait3A_177 : memref<!tpu.dma_semaphore, #tpu.memory_space<semaphore_mem>>) src(%dma_wait3A_169 : memref<128x32xbf16, #tpu.memory_space<vmem>>) dst(%dma_wait3A_175 : memref<10240x32xbf16, #tpu.memory_space<vmem_shared>>)
        } else {
        }
        %add3A_144 = arith.constant 3 : i32
        %add3A_145 = arith.addi %while3A_106, %add3A_144 : i32
        %sub3A_146 = arith.constant 1 : i32
        %sub3A_147 = arith.subi %add3A_145, %sub3A_146 : i32
        %rem3A_148 = arith.constant 3 : i32
        %rem3A_149 = arith.remsi %sub3A_147, %rem3A_148 : i32
        %dma_start3A_150 = arith.constant 0 : i32
        %dma_start3A_151 = arith.constant 0 : i32
        %dma_start3A_152 = tpu.memref_slice %arg11[%rem3A_149, %dma_start3A_150, %dma_start3A_151] : memref<3x128x32xbf16, #tpu.memory_space<vmem>> -> memref<1x128x32xbf16, #tpu.memory_space<vmem>>
        %dma_start3A_153 = tpu.memref_squeeze %dma_start3A_152 : memref<1x128x32xbf16, #tpu.memory_space<vmem>> -> memref<128x32xbf16, #tpu.memory_space<vmem>>
        %dma_start3A_154 = arith.constant 0 : i32
        %dma_start3A_155 = tpu.memref_slice %arg9[%sub3A_147, %dma_start3A_154] : memref<105x128xi32, #tpu.memory_space<vmem>> -> memref<1x128xi32, #tpu.memory_space<vmem>>
        %dma_start3A_156 = tpu.memref_squeeze %dma_start3A_155 : memref<1x128xi32, #tpu.memory_space<vmem>> -> memref<128xi32, #tpu.memory_space<vmem>>
        %dma_start3A_157 = arith.constant 0 : i32
        %dma_start3A_158 = arith.constant 0 : i32
        %dma_start3A_159 = tpu.memref_slice %arg4[%dma_start3A_157, %dma_start3A_158] : memref<10000x32xbf16, #tpu.memory_space<hbm>> -> memref<10000x32xbf16, #tpu.memory_space<hbm>>
        %dma_start3A_160 = tpu.memref_slice %arg13[%rem3A_149] : memref<3x!tpu.dma_semaphore, #tpu.memory_space<semaphore_mem>> -> memref<1x!tpu.dma_semaphore, #tpu.memory_space<semaphore_mem>>
        %dma_start3A_161 = tpu.memref_squeeze %dma_start3A_160 : memref<1x!tpu.dma_semaphore, #tpu.memory_space<semaphore_mem>> -> memref<!tpu.dma_semaphore, #tpu.memory_space<semaphore_mem>>
        tpu.enqueue_indirect_dma source(%dma_start3A_159 : memref<10000x32xbf16, #tpu.memory_space<hbm>>) target(%dma_start3A_153 : memref<128x32xbf16, #tpu.memory_space<vmem>>) offsets(%dma_start3A_156 : memref<128xi32, #tpu.memory_space<vmem>>) semaphore(%dma_start3A_161 : memref<!tpu.dma_semaphore, #tpu.memory_space<semaphore_mem>>)
      } else {
      }
    }
    %while3A_50 = arith.constant 1 : i32
    scf.for %while3A_106 = %while3A_48 to %while3A_44 step %while3A_50  : i32 {
      %rem3A_107 = arith.constant 3 : i32
      %rem3A_108 = arith.remsi %while3A_106, %rem3A_107 : i32
      %dma_wait3A_109 = arith.constant 0 : i32
      %dma_wait3A_110 = arith.constant 0 : i32
      %dma_wait3A_111 = tpu.memref_slice %arg11[%rem3A_108, %dma_wait3A_109, %dma_wait3A_110] : memref<3x128x32xbf16, #tpu.memory_space<vmem>> -> memref<1x128x32xbf16, #tpu.memory_space<vmem>>
      %dma_wait3A_112 = tpu.memref_squeeze %dma_wait3A_111 : memref<1x128x32xbf16, #tpu.memory_space<vmem>> -> memref<128x32xbf16, #tpu.memory_space<vmem>>
      %dma_wait3A_113 = arith.constant 0 : i32
      %dma_wait3A_114 = tpu.memref_slice %arg9[%while3A_106, %dma_wait3A_113] : memref<105x128xi32, #tpu.memory_space<vmem>> -> memref<1x128xi32, #tpu.memory_space<vmem>>
      %dma_wait3A_115 = tpu.memref_squeeze %dma_wait3A_114 : memref<1x128xi32, #tpu.memory_space<vmem>> -> memref<128xi32, #tpu.memory_space<vmem>>
      %dma_wait3A_116 = arith.constant 0 : i32
      %dma_wait3A_117 = arith.constant 0 : i32
      %dma_wait3A_118 = tpu.memref_slice %arg4[%dma_wait3A_116, %dma_wait3A_117] : memref<10000x32xbf16, #tpu.memory_space<hbm>> -> memref<10000x32xbf16, #tpu.memory_space<hbm>>
      %dma_wait3A_119 = tpu.memref_slice %arg13[%rem3A_108] : memref<3x!tpu.dma_semaphore, #tpu.memory_space<semaphore_mem>> -> memref<1x!tpu.dma_semaphore, #tpu.memory_space<semaphore_mem>>
      %dma_wait3A_120 = tpu.memref_squeeze %dma_wait3A_119 : memref<1x!tpu.dma_semaphore, #tpu.memory_space<semaphore_mem>> -> memref<!tpu.dma_semaphore, #tpu.memory_space<semaphore_mem>>
      tpu.wait_indirect_dma semaphore(%dma_wait3A_120 : memref<!tpu.dma_semaphore, #tpu.memory_space<semaphore_mem>>) src(%dma_wait3A_118 : memref<10000x32xbf16, #tpu.memory_space<hbm>>) dst(%dma_wait3A_112 : memref<128x32xbf16, #tpu.memory_space<vmem>>)
      %rem3A_121 = arith.constant 3 : i32
      %rem3A_122 = arith.remsi %while3A_106, %rem3A_121 : i32
      %dma_start3A_123 = arith.constant 0 : i32
      %dma_start3A_124 = arith.constant 0 : i32
      %dma_start3A_125 = tpu.memref_slice %arg11[%rem3A_122, %dma_start3A_123, %dma_start3A_124] : memref<3x128x32xbf16, #tpu.memory_space<vmem>> -> memref<1x128x32xbf16, #tpu.memory_space<vmem>>
      %dma_start3A_126 = tpu.memref_squeeze %dma_start3A_125 : memref<1x128x32xbf16, #tpu.memory_space<vmem>> -> memref<128x32xbf16, #tpu.memory_space<vmem>>
      %dma_start3A_127 = arith.constant 0 : i32
      %dma_start3A_128 = tpu.memref_slice %arg10[%while3A_106, %dma_start3A_127] : memref<105x128xi32, #tpu.memory_space<vmem>> -> memref<1x128xi32, #tpu.memory_space<vmem>>
      %dma_start3A_129 = tpu.memref_squeeze %dma_start3A_128 : memref<1x128xi32, #tpu.memory_space<vmem>> -> memref<128xi32, #tpu.memory_space<vmem>>
      %dma_start3A_130 = arith.constant 0 : i32
      %dma_start3A_131 = arith.constant 0 : i32
      %dma_start3A_132 = tpu.memref_slice %arg12[%dma_start3A_130, %dma_start3A_131] : memref<10240x32xbf16, #tpu.memory_space<vmem_shared>> -> memref<10240x32xbf16, #tpu.memory_space<vmem_shared>>
      %dma_start3A_133 = tpu.memref_slice %arg14[%rem3A_122] : memref<3x!tpu.dma_semaphore, #tpu.memory_space<semaphore_mem>> -> memref<1x!tpu.dma_semaphore, #tpu.memory_space<semaphore_mem>>
      %dma_start3A_134 = tpu.memref_squeeze %dma_start3A_133 : memref<1x!tpu.dma_semaphore, #tpu.memory_space<semaphore_mem>> -> memref<!tpu.dma_semaphore, #tpu.memory_space<semaphore_mem>>
      tpu.enqueue_indirect_dma source(%dma_start3A_126 : memref<128x32xbf16, #tpu.memory_space<vmem>>) target(%dma_start3A_132 : memref<10240x32xbf16, #tpu.memory_space<vmem_shared>>) offsets(%dma_start3A_129 : memref<128xi32, #tpu.memory_space<vmem>>) semaphore(%dma_start3A_134 : memref<!tpu.dma_semaphore, #tpu.memory_space<semaphore_mem>>) {add = true}
      %add3A_135 = arith.constant 3 : i32
      %add3A_136 = arith.addi %while3A_106, %add3A_135 : i32
      %sub3A_137 = arith.constant 1 : i32
      %sub3A_138 = arith.subi %add3A_136, %sub3A_137 : i32
      %lt3A = arith.cmpi slt, %sub3A_138, %select_n3A_2 : i32
      %convert_element_type3A = arith.extui %lt3A : i1 to i32
      %cond3A = arith.constant 0 : i32
      %cond3A_139 = arith.cmpi ne, %convert_element_type3A, %cond3A : i32
      scf.if %cond3A_139 {
        %ge3A = arith.constant 1 : i32
        %ge3A_140 = arith.cmpi sge, %while3A_106, %ge3A : i32
        %convert_element_type3A_141 = arith.extui %ge3A_140 : i1 to i32
        %cond3A_142 = arith.constant 0 : i32
        %cond3A_143 = arith.cmpi ne, %convert_element_type3A_141, %cond3A_142 : i32
        scf.if %cond3A_143 {
          %sub3A_162 = arith.constant 1 : i32
          %sub3A_163 = arith.subi %while3A_106, %sub3A_162 : i32
          %rem3A_164 = arith.constant 3 : i32
          %rem3A_165 = arith.remsi %sub3A_163, %rem3A_164 : i32
          %dma_wait3A_166 = arith.constant 0 : i32
          %dma_wait3A_167 = arith.constant 0 : i32
          %dma_wait3A_168 = tpu.memref_slice %arg11[%rem3A_165, %dma_wait3A_166, %dma_wait3A_167] : memref<3x128x32xbf16, #tpu.memory_space<vmem>> -> memref<1x128x32xbf16, #tpu.memory_space<vmem>>
          %dma_wait3A_169 = tpu.memref_squeeze %dma_wait3A_168 : memref<1x128x32xbf16, #tpu.memory_space<vmem>> -> memref<128x32xbf16, #tpu.memory_space<vmem>>
          %dma_wait3A_170 = arith.constant 0 : i32
          %dma_wait3A_171 = tpu.memref_slice %arg10[%sub3A_163, %dma_wait3A_170] : memref<105x128xi32, #tpu.memory_space<vmem>> -> memref<1x128xi32, #tpu.memory_space<vmem>>
          %dma_wait3A_172 = tpu.memref_squeeze %dma_wait3A_171 : memref<1x128xi32, #tpu.memory_space<vmem>> -> memref<128xi32, #tpu.memory_space<vmem>>
          %dma_wait3A_173 = arith.constant 0 : i32
          %dma_wait3A_174 = arith.constant 0 : i32
          %dma_wait3A_175 = tpu.memref_slice %arg12[%dma_wait3A_173, %dma_wait3A_174] : memref<10240x32xbf16, #tpu.memory_space<vmem_shared>> -> memref<10240x32xbf16, #tpu.memory_space<vmem_shared>>
          %dma_wait3A_176 = tpu.memref_slice %arg14[%rem3A_165] : memref<3x!tpu.dma_semaphore, #tpu.memory_space<semaphore_mem>> -> memref<1x!tpu.dma_semaphore, #tpu.memory_space<semaphore_mem>>
          %dma_wait3A_177 = tpu.memref_squeeze %dma_wait3A_176 : memref<1x!tpu.dma_semaphore, #tpu.memory_space<semaphore_mem>> -> memref<!tpu.dma_semaphore, #tpu.memory_space<semaphore_mem>>
          tpu.wait_indirect_dma semaphore(%dma_wait3A_177 : memref<!tpu.dma_semaphore, #tpu.memory_space<semaphore_mem>>) src(%dma_wait3A_169 : memref<128x32xbf16, #tpu.memory_space<vmem>>) dst(%dma_wait3A_175 : memref<10240x32xbf16, #tpu.memory_space<vmem_shared>>)
        } else {
        }
        %add3A_144 = arith.constant 3 : i32
        %add3A_145 = arith.addi %while3A_106, %add3A_144 : i32
        %sub3A_146 = arith.constant 1 : i32
        %sub3A_147 = arith.subi %add3A_145, %sub3A_146 : i32
        %rem3A_148 = arith.constant 3 : i32
        %rem3A_149 = arith.remsi %sub3A_147, %rem3A_148 : i32
        %dma_start3A_150 = arith.constant 0 : i32
        %dma_start3A_151 = arith.constant 0 : i32
        %dma_start3A_152 = tpu.memref_slice %arg11[%rem3A_149, %dma_start3A_150, %dma_start3A_151] : memref<3x128x32xbf16, #tpu.memory_space<vmem>> -> memref<1x128x32xbf16, #tpu.memory_space<vmem>>
        %dma_start3A_153 = tpu.memref_squeeze %dma_start3A_152 : memref<1x128x32xbf16, #tpu.memory_space<vmem>> -> memref<128x32xbf16, #tpu.memory_space<vmem>>
        %dma_start3A_154 = arith.constant 0 : i32
        %dma_start3A_155 = tpu.memref_slice %arg9[%sub3A_147, %dma_start3A_154] : memref<105x128xi32, #tpu.memory_space<vmem>> -> memref<1x128xi32, #tpu.memory_space<vmem>>
        %dma_start3A_156 = tpu.memref_squeeze %dma_start3A_155 : memref<1x128xi32, #tpu.memory_space<vmem>> -> memref<128xi32, #tpu.memory_space<vmem>>
        %dma_start3A_157 = arith.constant 0 : i32
        %dma_start3A_158 = arith.constant 0 : i32
        %dma_start3A_159 = tpu.memref_slice %arg4[%dma_start3A_157, %dma_start3A_158] : memref<10000x32xbf16, #tpu.memory_space<hbm>> -> memref<10000x32xbf16, #tpu.memory_space<hbm>>
        %dma_start3A_160 = tpu.memref_slice %arg13[%rem3A_149] : memref<3x!tpu.dma_semaphore, #tpu.memory_space<semaphore_mem>> -> memref<1x!tpu.dma_semaphore, #tpu.memory_space<semaphore_mem>>
        %dma_start3A_161 = tpu.memref_squeeze %dma_start3A_160 : memref<1x!tpu.dma_semaphore, #tpu.memory_space<semaphore_mem>> -> memref<!tpu.dma_semaphore, #tpu.memory_space<semaphore_mem>>
        tpu.enqueue_indirect_dma source(%dma_start3A_159 : memref<10000x32xbf16, #tpu.memory_space<hbm>>) target(%dma_start3A_153 : memref<128x32xbf16, #tpu.memory_space<vmem>>) offsets(%dma_start3A_156 : memref<128xi32, #tpu.memory_space<vmem>>) semaphore(%dma_start3A_161 : memref<!tpu.dma_semaphore, #tpu.memory_space<semaphore_mem>>)
      } else {
      }
    }
    %sub3A = arith.constant 3 : i32
    %sub3A_51 = arith.subi %select_n3A_2, %sub3A : i32
    %add3A_52 = arith.constant 0 : i32
    %add3A_53 = arith.addi %sub3A_51, %add3A_52 : i32
    %rem3A_54 = arith.constant 3 : i32
    %rem3A_55 = arith.remsi %add3A_53, %rem3A_54 : i32
    %dma_wait3A = arith.constant 0 : i32
    %dma_wait3A_56 = arith.constant 0 : i32
    %dma_wait3A_57 = tpu.memref_slice %arg11[%rem3A_55, %dma_wait3A, %dma_wait3A_56] : memref<3x128x32xbf16, #tpu.memory_space<vmem>> -> memref<1x128x32xbf16, #tpu.memory_space<vmem>>
    %dma_wait3A_58 = tpu.memref_squeeze %dma_wait3A_57 : memref<1x128x32xbf16, #tpu.memory_space<vmem>> -> memref<128x32xbf16, #tpu.memory_space<vmem>>
    %dma_wait3A_59 = arith.constant 0 : i32
    %dma_wait3A_60 = tpu.memref_slice %arg10[%add3A_53, %dma_wait3A_59] : memref<105x128xi32, #tpu.memory_space<vmem>> -> memref<1x128xi32, #tpu.memory_space<vmem>>
    %dma_wait3A_61 = tpu.memref_squeeze %dma_wait3A_60 : memref<1x128xi32, #tpu.memory_space<vmem>> -> memref<128xi32, #tpu.memory_space<vmem>>
    %dma_wait3A_62 = arith.constant 0 : i32
    %dma_wait3A_63 = arith.constant 0 : i32
    %dma_wait3A_64 = tpu.memref_slice %arg12[%dma_wait3A_62, %dma_wait3A_63] : memref<10240x32xbf16, #tpu.memory_space<vmem_shared>> -> memref<10240x32xbf16, #tpu.memory_space<vmem_shared>>
    %dma_wait3A_65 = tpu.memref_slice %arg14[%rem3A_55] : memref<3x!tpu.dma_semaphore, #tpu.memory_space<semaphore_mem>> -> memref<1x!tpu.dma_semaphore, #tpu.memory_space<semaphore_mem>>
    %dma_wait3A_66 = tpu.memref_squeeze %dma_wait3A_65 : memref<1x!tpu.dma_semaphore, #tpu.memory_space<semaphore_mem>> -> memref<!tpu.dma_semaphore, #tpu.memory_space<semaphore_mem>>
    tpu.wait_indirect_dma semaphore(%dma_wait3A_66 : memref<!tpu.dma_semaphore, #tpu.memory_space<semaphore_mem>>) src(%dma_wait3A_58 : memref<128x32xbf16, #tpu.memory_space<vmem>>) dst(%dma_wait3A_64 : memref<10240x32xbf16, #tpu.memory_space<vmem_shared>>)
    %sub3A_67 = arith.constant 3 : i32
    %sub3A_68 = arith.subi %select_n3A_2, %sub3A_67 : i32
    %add3A_69 = arith.constant 1 : i32
    %add3A_70 = arith.addi %sub3A_68, %add3A_69 : i32
    %rem3A_71 = arith.constant 3 : i32
    %rem3A_72 = arith.remsi %add3A_70, %rem3A_71 : i32
    %dma_wait3A_73 = arith.constant 0 : i32
    %dma_wait3A_74 = arith.constant 0 : i32
    %dma_wait3A_75 = tpu.memref_slice %arg11[%rem3A_72, %dma_wait3A_73, %dma_wait3A_74] : memref<3x128x32xbf16, #tpu.memory_space<vmem>> -> memref<1x128x32xbf16, #tpu.memory_space<vmem>>
    %dma_wait3A_76 = tpu.memref_squeeze %dma_wait3A_75 : memref<1x128x32xbf16, #tpu.memory_space<vmem>> -> memref<128x32xbf16, #tpu.memory_space<vmem>>
    %dma_wait3A_77 = arith.constant 0 : i32
    %dma_wait3A_78 = tpu.memref_slice %arg10[%add3A_70, %dma_wait3A_77] : memref<105x128xi32, #tpu.memory_space<vmem>> -> memref<1x128xi32, #tpu.memory_space<vmem>>
    %dma_wait3A_79 = tpu.memref_squeeze %dma_wait3A_78 : memref<1x128xi32, #tpu.memory_space<vmem>> -> memref<128xi32, #tpu.memory_space<vmem>>
    %dma_wait3A_80 = arith.constant 0 : i32
    %dma_wait3A_81 = arith.constant 0 : i32
    %dma_wait3A_82 = tpu.memref_slice %arg12[%dma_wait3A_80, %dma_wait3A_81] : memref<10240x32xbf16, #tpu.memory_space<vmem_shared>> -> memref<10240x32xbf16, #tpu.memory_space<vmem_shared>>
    %dma_wait3A_83 = tpu.memref_slice %arg14[%rem3A_72] : memref<3x!tpu.dma_semaphore, #tpu.memory_space<semaphore_mem>> -> memref<1x!tpu.dma_semaphore, #tpu.memory_space<semaphore_mem>>
    %dma_wait3A_84 = tpu.memref_squeeze %dma_wait3A_83 : memref<1x!tpu.dma_semaphore, #tpu.memory_space<semaphore_mem>> -> memref<!tpu.dma_semaphore, #tpu.memory_space<semaphore_mem>>
    tpu.wait_indirect_dma semaphore(%dma_wait3A_84 : memref<!tpu.dma_semaphore, #tpu.memory_space<semaphore_mem>>) src(%dma_wait3A_76 : memref<128x32xbf16, #tpu.memory_space<vmem>>) dst(%dma_wait3A_82 : memref<10240x32xbf16, #tpu.memory_space<vmem_shared>>)
    %sub3A_85 = arith.constant 3 : i32
    %sub3A_86 = arith.subi %select_n3A_2, %sub3A_85 : i32
    %add3A_87 = arith.constant 2 : i32
    %add3A_88 = arith.addi %sub3A_86, %add3A_87 : i32
    %rem3A_89 = arith.constant 3 : i32
    %rem3A_90 = arith.remsi %add3A_88, %rem3A_89 : i32
    %dma_wait3A_91 = arith.constant 0 : i32
    %dma_wait3A_92 = arith.constant 0 : i32
    %dma_wait3A_93 = tpu.memref_slice %arg11[%rem3A_90, %dma_wait3A_91, %dma_wait3A_92] : memref<3x128x32xbf16, #tpu.memory_space<vmem>> -> memref<1x128x32xbf16, #tpu.memory_space<vmem>>
    %dma_wait3A_94 = tpu.memref_squeeze %dma_wait3A_93 : memref<1x128x32xbf16, #tpu.memory_space<vmem>> -> memref<128x32xbf16, #tpu.memory_space<vmem>>
    %dma_wait3A_95 = arith.constant 0 : i32
    %dma_wait3A_96 = tpu.memref_slice %arg10[%add3A_88, %dma_wait3A_95] : memref<105x128xi32, #tpu.memory_space<vmem>> -> memref<1x128xi32, #tpu.memory_space<vmem>>
    %dma_wait3A_97 = tpu.memref_squeeze %dma_wait3A_96 : memref<1x128xi32, #tpu.memory_space<vmem>> -> memref<128xi32, #tpu.memory_space<vmem>>
    %dma_wait3A_98 = arith.constant 0 : i32
    %dma_wait3A_99 = arith.constant 0 : i32
    %dma_wait3A_100 = tpu.memref_slice %arg12[%dma_wait3A_98, %dma_wait3A_99] : memref<10240x32xbf16, #tpu.memory_space<vmem_shared>> -> memref<10240x32xbf16, #tpu.memory_space<vmem_shared>>
    %dma_wait3A_101 = tpu.memref_slice %arg14[%rem3A_90] : memref<3x!tpu.dma_semaphore, #tpu.memory_space<semaphore_mem>> -> memref<1x!tpu.dma_semaphore, #tpu.memory_space<semaphore_mem>>
    %dma_wait3A_102 = tpu.memref_squeeze %dma_wait3A_101 : memref<1x!tpu.dma_semaphore, #tpu.memory_space<semaphore_mem>> -> memref<!tpu.dma_semaphore, #tpu.memory_space<semaphore_mem>>
    tpu.wait_indirect_dma semaphore(%dma_wait3A_102 : memref<!tpu.dma_semaphore, #tpu.memory_space<semaphore_mem>>) src(%dma_wait3A_94 : memref<128x32xbf16, #tpu.memory_space<vmem>>) dst(%dma_wait3A_100 : memref<10240x32xbf16, #tpu.memory_space<vmem_shared>>)
    %barrier3A_103 = arith.constant 0 : index
    tpu.barrier barrier_id(%barrier3A_103)
    %mul3A_104 = arith.constant 640 : i32
    %mul3A_105 = arith.muli %arg1, %mul3A_104 : i32
    "tpu.region"() ({
      %run_scoped3A = tpu.sem_alloc : memref<!tpu.dma_semaphore, #tpu.memory_space<semaphore_mem>>
      %dma_start3A_106 = arith.constant 0 : i32
      %dma_start3A_107 = tpu.memref_slice %arg8[%arg0, %mul3A_105, %dma_start3A_106] : memref<2x10240x32xbf16, #tpu.memory_space<hbm>> -> memref<1x640x32xbf16, #tpu.memory_space<hbm>>
      %dma_start3A_108 = tpu.memref_squeeze %dma_start3A_107 : memref<1x640x32xbf16, #tpu.memory_space<hbm>> -> memref<640x32xbf16, #tpu.memory_space<hbm>>
      %dma_start3A_109 = arith.constant 0 : i32
      %dma_start3A_110 = tpu.memref_slice %arg12[%mul3A_105, %dma_start3A_109] : memref<10240x32xbf16, #tpu.memory_space<vmem_shared>> -> memref<640x32xbf16, #tpu.memory_space<vmem_shared>>
      tpu.enqueue_dma source(%dma_start3A_110 : memref<640x32xbf16, #tpu.memory_space<vmem_shared>>) target(%dma_start3A_108 : memref<640x32xbf16, #tpu.memory_space<hbm>>) target_semaphore(%run_scoped3A : memref<!tpu.dma_semaphore, #tpu.memory_space<semaphore_mem>>)
      %dma_wait3A_111 = arith.constant 0 : i32
      %dma_wait3A_112 = tpu.memref_slice %arg8[%arg0, %mul3A_105, %dma_wait3A_111] : memref<2x10240x32xbf16, #tpu.memory_space<hbm>> -> memref<1x640x32xbf16, #tpu.memory_space<hbm>>
      %dma_wait3A_113 = tpu.memref_squeeze %dma_wait3A_112 : memref<1x640x32xbf16, #tpu.memory_space<hbm>> -> memref<640x32xbf16, #tpu.memory_space<hbm>>
      %dma_wait3A_114 = arith.constant 0 : i32
      %dma_wait3A_115 = tpu.memref_slice %arg12[%mul3A_105, %dma_wait3A_114] : memref<10240x32xbf16, #tpu.memory_space<vmem_shared>> -> memref<640x32xbf16, #tpu.memory_space<vmem_shared>>
      tpu.wait_dma2 semaphore(%run_scoped3A : memref<!tpu.dma_semaphore, #tpu.memory_space<semaphore_mem>>) src(%dma_wait3A_115 : memref<640x32xbf16, #tpu.memory_space<vmem_shared>>) dst(%dma_wait3A_113 : memref<640x32xbf16, #tpu.memory_space<hbm>>)
      tpu.yield
    }) : () -> ()
    return
  }
}

module attributes {stable_mosaic.version = 14 : i64} {
  func.func @body(%arg0: memref<10000x128xf32, #tpu.memory_space<vmem>>, %arg1: memref<128x64xf32, #tpu.memory_space<vmem>>, %arg2: memref<128x64xf32, #tpu.memory_space<vmem>>, %arg3: memref<1x64xf32, #tpu.memory_space<vmem>>, %arg4: memref<10000x64xbf16, #tpu.memory_space<vmem>>, %arg5: memref<10000x64xf32, #tpu.memory_space<vmem>>) attributes {dimension_semantics = [], scalar_prefetch = 0 : i64, scratch_operands = 0 : i64, tpu.core_type = #tpu.core_type<tc>} {
    %get3A = arith.constant 0 : index
    %get3A_0 = arith.constant 0 : index
    %get3A_1 = vector.load %arg0[%get3A, %get3A_0] : memref<10000x128xf32, #tpu.memory_space<vmem>>, vector<10000x128xf32>
    %get3A_2 = arith.constant 0 : index
    %get3A_3 = arith.constant 0 : index
    %get3A_4 = vector.load %arg1[%get3A_2, %get3A_3] : memref<128x64xf32, #tpu.memory_space<vmem>>, vector<128x64xf32>
    %dot_general3A = arith.constant dense<0.000000e+00> : vector<10000x64xf32>
    %dot_general3A_5 = tpu.matmul %get3A_1, %get3A_4, %dot_general3A {dimension_numbers = #tpu.dot_dimension_numbers<[1], [0], [0], [1], [0, 0, 1, 1], [], []>, transpose_lhs_hint = false} : vector<10000x128xf32>, vector<128x64xf32>, vector<10000x64xf32> -> vector<10000x64xf32>
    %convert_element_type3A = arith.truncf %dot_general3A_5 : vector<10000x64xf32> to vector<10000x64xbf16>
    %swap3A = arith.constant 0 : index
    %swap3A_6 = arith.constant 0 : index
    %swap3A_7 = vector.load %arg4[%swap3A, %swap3A_6] : memref<10000x64xbf16, #tpu.memory_space<vmem>>, vector<10000x64xbf16>
    tpu.vector_store %arg4[%swap3A, %swap3A_6], %convert_element_type3A {strides = array<i32>} : memref<10000x64xbf16, #tpu.memory_space<vmem>>, vector<10000x64xbf16>,
    %get3A_8 = arith.constant 0 : index
    %get3A_9 = arith.constant 0 : index
    %get3A_10 = vector.load %arg2[%get3A_8, %get3A_9] : memref<128x64xf32, #tpu.memory_space<vmem>>, vector<128x64xf32>
    %dot_general3A_11 = arith.constant dense<0.000000e+00> : vector<10000x64xf32>
    %dot_general3A_12 = tpu.matmul %get3A_1, %get3A_10, %dot_general3A_11 {dimension_numbers = #tpu.dot_dimension_numbers<[1], [0], [0], [1], [0, 0, 1, 1], [], []>, transpose_lhs_hint = false} : vector<10000x128xf32>, vector<128x64xf32>, vector<10000x64xf32> -> vector<10000x64xf32>
    %get3A_13 = arith.constant 0 : index
    %get3A_14 = arith.constant 0 : index
    %get3A_15 = vector.load %arg3[%get3A_13, %get3A_14] : memref<1x64xf32, #tpu.memory_space<vmem>>, vector<1x64xf32>
    %add3A = vector.broadcast %get3A_15 : vector<1x64xf32> to vector<10000x64xf32>
    %add3A_16 = arith.addf %dot_general3A_12, %add3A : vector<10000x64xf32>
    %swap3A_17 = arith.constant 0 : index
    %swap3A_18 = arith.constant 0 : index
    %swap3A_19 = vector.load %arg5[%swap3A_17, %swap3A_18] : memref<10000x64xf32, #tpu.memory_space<vmem>>, vector<10000x64xf32>
    tpu.vector_store %arg5[%swap3A_17, %swap3A_18], %add3A_16 {strides = array<i32>} : memref<10000x64xf32, #tpu.memory_space<vmem>>, vector<10000x64xf32>,
    return
  }
}

module attributes {stable_mosaic.version = 14 : i64} {
  func.func @body(%arg0: memref<2x10240x64xbf16, #tpu.memory_space<vmem>>, %arg1: memref<2x10240x8xf32, #tpu.memory_space<vmem>>, %arg2: memref<10000x64xf32, #tpu.memory_space<vmem>>, %arg3: memref<64x32xf32, #tpu.memory_space<vmem>>, %arg4: memref<64x32xf32, #tpu.memory_space<vmem>>, %arg5: memref<1x32xf32, #tpu.memory_space<vmem>>, %arg6: memref<10000x32xbf16, #tpu.memory_space<vmem>>, %arg7: memref<10000x32xf32, #tpu.memory_space<vmem>>) attributes {dimension_semantics = [], scalar_prefetch = 0 : i64, scratch_operands = 0 : i64, tpu.core_type = #tpu.core_type<tc>} {
    %get3A = arith.constant 0 : index
    %get3A_0 = arith.constant 0 : index
    %get3A_1 = arith.constant 0 : index
    %get3A_2 = vector.load %arg0[%get3A, %get3A_0, %get3A_1] : memref<2x10240x64xbf16, #tpu.memory_space<vmem>>, vector<1x10240x64xbf16>
    %get3A_3 = vector.shape_cast %get3A_2 : vector<1x10240x64xbf16> to vector<10240x64xbf16>
    %convert_element_type3A = arith.extf %get3A_3 : vector<10240x64xbf16> to vector<10240x64xf32>
    %get3A_4 = arith.constant 1 : index
    %get3A_5 = arith.constant 0 : index
    %get3A_6 = arith.constant 0 : index
    %get3A_7 = vector.load %arg0[%get3A_4, %get3A_5, %get3A_6] : memref<2x10240x64xbf16, #tpu.memory_space<vmem>>, vector<1x10240x64xbf16>
    %get3A_8 = vector.shape_cast %get3A_7 : vector<1x10240x64xbf16> to vector<10240x64xbf16>
    %convert_element_type3A_9 = arith.extf %get3A_8 : vector<10240x64xbf16> to vector<10240x64xf32>
    %add3A = arith.addf %convert_element_type3A, %convert_element_type3A_9 : vector<10240x64xf32>
    %get3A_10 = arith.constant 0 : index
    %get3A_11 = arith.constant 0 : index
    %get3A_12 = arith.constant 0 : index
    %get3A_13 = vector.load %arg1[%get3A_10, %get3A_11, %get3A_12] : memref<2x10240x8xf32, #tpu.memory_space<vmem>>, vector<1x10240x1xf32>
    %get3A_14 = vector.shape_cast %get3A_13 : vector<1x10240x1xf32> to vector<10240x1xf32>
    %get3A_15 = arith.constant 1 : index
    %get3A_16 = arith.constant 0 : index
    %get3A_17 = arith.constant 0 : index
    %get3A_18 = vector.load %arg1[%get3A_15, %get3A_16, %get3A_17] : memref<2x10240x8xf32, #tpu.memory_space<vmem>>, vector<1x10240x1xf32>
    %get3A_19 = vector.shape_cast %get3A_18 : vector<1x10240x1xf32> to vector<10240x1xf32>
    %add3A_20 = arith.addf %get3A_14, %get3A_19 : vector<10240x1xf32>
    %max3A = arith.constant 1.000000e+00 : f32
    %max3A_21 = vector.broadcast %max3A : f32 to vector<10240x1xf32>
    %max3A_22 = arith.maximumf %add3A_20, %max3A_21 : vector<10240x1xf32>
    %div3A = vector.broadcast %max3A_22 : vector<10240x1xf32> to vector<10240x64xf32>
    %div3A_23 = arith.divf %add3A, %div3A : vector<10240x64xf32>
    %slice3A = vector.extract_strided_slice %div3A_23 {offsets = [0, 0], sizes = [10000, 64], strides = [1, 1]} : vector<10240x64xf32> to vector<10000x64xf32>
    %get3A_24 = arith.constant 0 : index
    %get3A_25 = arith.constant 0 : index
    %get3A_26 = vector.load %arg2[%get3A_24, %get3A_25] : memref<10000x64xf32, #tpu.memory_space<vmem>>, vector<10000x64xf32>
    %add3A_27 = arith.addf %slice3A, %get3A_26 : vector<10000x64xf32>
    %max3A_28 = arith.constant 0.000000e+00 : f32
    %max3A_29 = vector.broadcast %max3A_28 : f32 to vector<10000x64xf32>
    %max3A_30 = arith.maximumf %add3A_27, %max3A_29 : vector<10000x64xf32>
    %get3A_31 = arith.constant 0 : index
    %get3A_32 = arith.constant 0 : index
    %get3A_33 = vector.load %arg3[%get3A_31, %get3A_32] : memref<64x32xf32, #tpu.memory_space<vmem>>, vector<64x32xf32>
    %dot_general3A = arith.constant dense<0.000000e+00> : vector<10000x32xf32>
    %dot_general3A_34 = tpu.matmul %max3A_30, %get3A_33, %dot_general3A {dimension_numbers = #tpu.dot_dimension_numbers<[1], [0], [0], [1], [0, 0, 1, 1], [], []>, transpose_lhs_hint = false} : vector<10000x64xf32>, vector<64x32xf32>, vector<10000x32xf32> -> vector<10000x32xf32>
    %convert_element_type3A_35 = arith.truncf %dot_general3A_34 : vector<10000x32xf32> to vector<10000x32xbf16>
    %swap3A = arith.constant 0 : index
    %swap3A_36 = arith.constant 0 : index
    %swap3A_37 = vector.load %arg6[%swap3A, %swap3A_36] : memref<10000x32xbf16, #tpu.memory_space<vmem>>, vector<10000x32xbf16>
    tpu.vector_store %arg6[%swap3A, %swap3A_36], %convert_element_type3A_35 {strides = array<i32>} : memref<10000x32xbf16, #tpu.memory_space<vmem>>, vector<10000x32xbf16>,
    %get3A_38 = arith.constant 0 : index
    %get3A_39 = arith.constant 0 : index
    %get3A_40 = vector.load %arg4[%get3A_38, %get3A_39] : memref<64x32xf32, #tpu.memory_space<vmem>>, vector<64x32xf32>
    %dot_general3A_41 = arith.constant dense<0.000000e+00> : vector<10000x32xf32>
    %dot_general3A_42 = tpu.matmul %max3A_30, %get3A_40, %dot_general3A_41 {dimension_numbers = #tpu.dot_dimension_numbers<[1], [0], [0], [1], [0, 0, 1, 1], [], []>, transpose_lhs_hint = false} : vector<10000x64xf32>, vector<64x32xf32>, vector<10000x32xf32> -> vector<10000x32xf32>
    %get3A_43 = arith.constant 0 : index
    %get3A_44 = arith.constant 0 : index
    %get3A_45 = vector.load %arg5[%get3A_43, %get3A_44] : memref<1x32xf32, #tpu.memory_space<vmem>>, vector<1x32xf32>
    %add3A_46 = vector.broadcast %get3A_45 : vector<1x32xf32> to vector<10000x32xf32>
    %add3A_47 = arith.addf %dot_general3A_42, %add3A_46 : vector<10000x32xf32>
    %swap3A_48 = arith.constant 0 : index
    %swap3A_49 = arith.constant 0 : index
    %swap3A_50 = vector.load %arg7[%swap3A_48, %swap3A_49] : memref<10000x32xf32, #tpu.memory_space<vmem>>, vector<10000x32xf32>
    tpu.vector_store %arg7[%swap3A_48, %swap3A_49], %add3A_47 {strides = array<i32>} : memref<10000x32xf32, #tpu.memory_space<vmem>>, vector<10000x32xf32>,
    return
  }
}

module attributes {stable_mosaic.version = 14 : i64} {
  func.func @body(%arg0: memref<2x10240x32xbf16, #tpu.memory_space<vmem>>, %arg1: memref<2x10240x8xf32, #tpu.memory_space<vmem>>, %arg2: memref<10000x32xf32, #tpu.memory_space<vmem>>, %arg3: memref<10000x32xf32, #tpu.memory_space<vmem>>) attributes {dimension_semantics = [], scalar_prefetch = 0 : i64, scratch_operands = 0 : i64, tpu.core_type = #tpu.core_type<tc>} {
    %get3A = arith.constant 0 : index
    %get3A_0 = arith.constant 0 : index
    %get3A_1 = arith.constant 0 : index
    %get3A_2 = vector.load %arg0[%get3A, %get3A_0, %get3A_1] : memref<2x10240x32xbf16, #tpu.memory_space<vmem>>, vector<1x10240x32xbf16>
    %get3A_3 = vector.shape_cast %get3A_2 : vector<1x10240x32xbf16> to vector<10240x32xbf16>
    %convert_element_type3A = arith.extf %get3A_3 : vector<10240x32xbf16> to vector<10240x32xf32>
    %get3A_4 = arith.constant 1 : index
    %get3A_5 = arith.constant 0 : index
    %get3A_6 = arith.constant 0 : index
    %get3A_7 = vector.load %arg0[%get3A_4, %get3A_5, %get3A_6] : memref<2x10240x32xbf16, #tpu.memory_space<vmem>>, vector<1x10240x32xbf16>
    %get3A_8 = vector.shape_cast %get3A_7 : vector<1x10240x32xbf16> to vector<10240x32xbf16>
    %convert_element_type3A_9 = arith.extf %get3A_8 : vector<10240x32xbf16> to vector<10240x32xf32>
    %add3A = arith.addf %convert_element_type3A, %convert_element_type3A_9 : vector<10240x32xf32>
    %get3A_10 = arith.constant 0 : index
    %get3A_11 = arith.constant 0 : index
    %get3A_12 = arith.constant 0 : index
    %get3A_13 = vector.load %arg1[%get3A_10, %get3A_11, %get3A_12] : memref<2x10240x8xf32, #tpu.memory_space<vmem>>, vector<1x10240x1xf32>
    %get3A_14 = vector.shape_cast %get3A_13 : vector<1x10240x1xf32> to vector<10240x1xf32>
    %get3A_15 = arith.constant 1 : index
    %get3A_16 = arith.constant 0 : index
    %get3A_17 = arith.constant 0 : index
    %get3A_18 = vector.load %arg1[%get3A_15, %get3A_16, %get3A_17] : memref<2x10240x8xf32, #tpu.memory_space<vmem>>, vector<1x10240x1xf32>
    %get3A_19 = vector.shape_cast %get3A_18 : vector<1x10240x1xf32> to vector<10240x1xf32>
    %add3A_20 = arith.addf %get3A_14, %get3A_19 : vector<10240x1xf32>
    %max3A = arith.constant 1.000000e+00 : f32
    %max3A_21 = vector.broadcast %max3A : f32 to vector<10240x1xf32>
    %max3A_22 = arith.maximumf %add3A_20, %max3A_21 : vector<10240x1xf32>
    %div3A = vector.broadcast %max3A_22 : vector<10240x1xf32> to vector<10240x32xf32>
    %div3A_23 = arith.divf %add3A, %div3A : vector<10240x32xf32>
    %slice3A = vector.extract_strided_slice %div3A_23 {offsets = [0, 0], sizes = [10000, 32], strides = [1, 1]} : vector<10240x32xf32> to vector<10000x32xf32>
    %get3A_24 = arith.constant 0 : index
    %get3A_25 = arith.constant 0 : index
    %get3A_26 = vector.load %arg2[%get3A_24, %get3A_25] : memref<10000x32xf32, #tpu.memory_space<vmem>>, vector<10000x32xf32>
    %add3A_27 = arith.addf %slice3A, %get3A_26 : vector<10000x32xf32>
    %swap3A = arith.constant 0 : index
    %swap3A_28 = arith.constant 0 : index
    %swap3A_29 = vector.load %arg3[%swap3A, %swap3A_28] : memref<10000x32xf32, #tpu.memory_space<vmem>>, vector<10000x32xf32>
    tpu.vector_store %arg3[%swap3A, %swap3A_28], %add3A_27 {strides = array<i32>} : memref<10000x32xf32, #tpu.memory_space<vmem>>, vector<10000x32xf32>,
    return
  }
}

</mosaic_0001>

<sc_bundles>
// kernel: kernel.10.cloned.1.call-start
scs
__scs_entry_jumppad:
0x0: {  	(pc) =	sbr.rel $0x88, $3  }
0x1: {  	(tag) =	ssettag $0x0;
	lr =	simm.s32 $0x1  }
0x2: {  	[smem:$0x3F99] =	sst lr;
	_ =	strace $0xD0000000  }
0x3: {  	_ = 	snop  }
0x4: {  	_ = 	snop  }
0x5: {  	_ = 	snop  }
0x6: {  	_ = 	snop  }
0x7: {  	_ = 	snop  }
__scs_overlays_trampoline_lowered:
0x8: {  	[smem:$0x3FA8] =	sst s0  }
0x9: {  	[smem:$0x3FA9] =	sst s1  }
0xa: {  	[smem:$0x3FAA] =	sst s2  }
0xb: {  	[smem:$0x3FAB] =	sst s3  }
0xc: {  	[smem:$0x3FAC] =	sst s4  }
0xd: {  	[smem:$0x3FAD] =	sst s5  }
0xe: {  	[smem:$0x3FAE] =	sst s6  }
0xf: {  	[smem:$0x3FAF] =	sst s7  }
0x10: {  	[smem:$0x3FB0] =	sst s8  }
0x11: {  	[smem:$0x3FB1] =	sst s9;
	s0 =	simm.s32 @!p0 $0x0  }
0x12: {  	s1 =	sld [smem:$0x3F97];
	s0 =	simm.s32 @p0 $0x1  }
0x13: {  	[smem:$0x3FB2] =	sst s0;
	s0 =	simm.s32 @!p1 $0x0  }
0x14: {  	s2 =	sld [smem:$0x3F96];
	s0 =	simm.s32 @p1 $0x1  }
0x15: {  	[smem:$0x3FB3] =	sst s0;
	s0 =	simm.s32 @!p2 $0x0  }
0x16: {  	s3 =	sld [smem:$0x3FDB];
	s0 =	simm.s32 @p2 $0x1  }
0x17: {  	s4 =	simm.s32 $0x1BF5;
	[smem:$0x3FB5] =	sst s0  }
0x18: {  	s0 =	sld [smem:$0x3F98];
	_ =	swait.ge [sflag:s4], $0x0  }
0x19: {  	s7 =	sld [smem:$0x3F99]  }
0x1a: {  	s8 =	sadd.s32 $0xFFFFE003, lr  }
0x1b: {  	s9 =	sadd.s32 $0xFFFFFEF7, lr;
	s5 =	simm.s32 $0xFFFFFFFF;
	p2 =	slt.u32 s8, $0xFFFFF086  }
0x1c: {  	p1 =	slt.u32 s9, $0xF7A;
	s5 =	simm.s32 @!p2 $0x0  }
0x1d: {  	s5 =	simm.s32 @p1 $0x1;
	p0 =	seq.s32 s7, s2  }
0x1e: {  	s7 =	smul.u32 @!p0 $0xF7A, s2;
	p2 =	seq.s32 @!p0 s5, $0x0  }
0x1f: {  	s9 =	smul.u32 $0xF7A, s1;
	s8 =	simm.s32 @!p0 $0x1BF5;
	p2 =	por !p2, p0  }
0x20: {  	[sflag:s8] =	ssyncset.s32 @!p0 $0xFFFFF086;
	s6 =	sadd.s32 @!p0 s3, s7;
	s7 =	simm.s32 @!p0 $0x108  }
0x21: {  	s3 =	sadd.s32 s3, s9;
	s6 =	sadd.s32 @!p0 $0x88, s6;
	s7 =	simm.s32 @p2 $0x1082  }
0x22: {  	[simem:s7], [sflag:s8] =	dma.local @!p0 [hbm:s6], $0xF7A  }
0x23: {  	s9 =	sor.u32 $0xD0000000, s2;
	s6 =	simm.s32 $0x108;
	_ =	swait.ge @!p0 [sflag:s8], $0x0  }
0x24: {  	s3 =	sadd.s32 $0x88, s3;
	s6 =	simm.s32 @!p1 $0x1082;
	[sflag:s4] =	ssyncset.s32 $0xFFFFF086  }
0x25: {  	[simem:s6], [sflag:s4] =	dma.local [hbm:s3], $0xF7A  }
0x26: {  	[smem:$0x3F99] =	sst s1;
	(tag) =	ssettag s2;
	_ =	strace s9  }
0x27: {  	s1 =	sld [smem:$0x3FA9]  }
0x28: {  	s2 =	sld [smem:$0x3FAA]  }
0x29: {  	s4 =	sld [smem:$0x3FAC]  }
0x2a: {  	p0 =	seq.s32 s5, $0x0;
	s5 =	sld [smem:$0x3FAD]  }
0x2b: {  	s6 =	sld [smem:$0x3FAE]  }
0x2c: {  	s7 =	sld [smem:$0x3FAF]  }
0x2d: {  	s3 =	simm.s32 $0x108;
	s8 =	sld [smem:$0x3FB0]  }
0x2e: {  	s3 =	simm.s32 @!p0 $0x1082;
	s9 =	sld [smem:$0x3FB1]  }
0x2f: {  	lr =	sadd.s32 s0, s3;
	s0 =	sld [smem:$0x3FA8]  }
0x30: {  	s3 =	sld [smem:$0x3FAB]  }
0x31: {  	[smem:$0x3FB4] =	sst s10  }
0x32: {  	s10 =	sld [smem:$0x3FB2];
	_ =	sdelay $0x3  }
0x33: {  	p0 =	seq.s32 s10, $0x1;
	s10 =	sld [smem:$0x3FB4];
	_ =	sdelay $0x3  }
0x34: {  	[smem:$0x3FB4] =	sst s10  }
0x35: {  	s10 =	sld [smem:$0x3FB3];
	_ =	sdelay $0x3  }
0x36: {  	p1 =	seq.s32 s10, $0x1;
	s10 =	sld [smem:$0x3FB4];
	_ =	sdelay $0x3  }
0x37: {  	[smem:$0x3FB4] =	sst s10  }
0x38: {  	s10 =	sld [smem:$0x3FB5]  }
0x39: {  	_ = 	snop;
	(pc) =	sbr.ind lr, $3  }
0x3a: {  	_ = 	snop  }
0x3b: {  	_ = 	snop  }
0x3c: {  	p2 =	seq.s32 s10, $0x1;
	s10 =	sld [smem:$0x3FB4]  }
0x3d: {  	_ =	shalt  }
0x3e: {  	_ =	shalt  }
0x3f: {  	_ =	shalt  }
0x40: {  	_ =	shalt  }
0x41: {  	_ =	shalt  }
0x42: {  	_ =	shalt  }
0x43: {  	_ =	shalt  }
0x44: {  	_ =	shalt  }
0x45: {  	_ =	shalt  }
0x46: {  	_ =	shalt  }
0x47: {  	_ =	shalt  }
0x48: {  	_ =	shalt  }
0x49: {  	_ =	shalt  }
0x4a: {  	_ =	shalt  }
0x4b: {  	_ =	shalt  }
0x4c: {  	_ =	shalt  }
0x4d: {  	_ =	shalt  }
0x4e: {  	_ =	shalt  }
0x4f: {  	_ =	shalt  }
0x50: {  	_ =	shalt  }
0x51: {  	_ =	shalt  }
0x52: {  	_ =	shalt  }
0x53: {  	_ =	shalt  }
0x54: {  	_ =	shalt  }
0x55: {  	_ =	shalt  }
0x56: {  	_ =	shalt  }
0x57: {  	_ =	shalt  }
0x58: {  	_ =	shalt  }
0x59: {  	_ =	shalt  }
0x5a: {  	_ =	shalt  }
0x5b: {  	_ =	shalt  }
0x5c: {  	_ =	shalt  }
0x5d: {  	_ =	shalt  }
0x5e: {  	_ =	shalt  }
0x5f: {  	_ =	shalt  }
0x60: {  	_ =	shalt  }
0x61: {  	_ =	shalt  }
0x62: {  	_ =	shalt  }
0x63: {  	_ =	shalt  }
0x64: {  	_ =	shalt  }
0x65: {  	_ =	shalt  }
0x66: {  	_ =	shalt  }
0x67: {  	_ =	shalt  }
0x68: {  	_ =	shalt  }
0x69: {  	_ =	shalt  }
0x6a: {  	_ =	shalt  }
0x6b: {  	_ =	shalt  }
0x6c: {  	_ =	shalt  }
0x6d: {  	_ =	shalt  }
0x6e: {  	_ =	shalt  }
0x6f: {  	_ =	shalt  }
0x70: {  	_ =	shalt  }
0x71: {  	_ =	shalt  }
0x72: {  	_ =	shalt  }
0x73: {  	_ =	shalt  }
0x74: {  	_ =	shalt  }
0x75: {  	_ =	shalt  }
0x76: {  	_ =	shalt  }
0x77: {  	_ =	shalt  }
0x78: {  	_ =	shalt  }
0x79: {  	_ =	shalt  }
0x7a: {  	_ =	shalt  }
0x7b: {  	_ =	shalt  }
0x7c: {  	_ =	shalt  }
0x7d: {  	_ =	shalt  }
0x7e: {  	_ =	shalt  }
0x7f: {  	_ =	shalt  }
0x80: {  	_ =	shalt  }
0x81: {  	_ =	shalt  }
0x82: {  	_ =	shalt  }
0x83: {  	_ =	shalt  }
0x84: {  	_ =	shalt  }
0x85: {  	_ =	shalt  }
0x86: {  	_ =	shalt  }
0x87: {  	_ =	shalt  }
.Lfunc_end0:
.L_simem_size_0:
called_computation.1_lowered:
.L_overlay_start_0:
0x88: {  	s2 =	sld [smem:$0x3FD9]  }
0x89: {  	s3 =	sld [smem:$0x3FFE];
	_ =	sdelay $0x1  }
0x8a: {  	s1 =	srdreg.scid  }
0x8b: {  	s0 =	sand.u32 $0x1, s1  }
0x8c: {  	s17 =	sshll.u32 s0, $0xA;
	s2 =	sadd.s32 s3, s2  }
0x8d: {  	s2 =	sadd.s32 s2, s17  }
0x8e: {  	[smem:$0x3FC0] =	sst s2  }
0x8f: {  	_ = 	snop  }
0x90: {  	s2 =	sld [smem:$0x3FD0];
	(tm) =	ssettm $0x1  }
0x91: {  	s18 =	sld [smem:$0x3FFB];
	_ =	sdelay $0x3  }
0x92: {  	_ =	strace s18  }
0x93: {  	s3 =	sld [smem:$0x3FFC];
	_ =	sdelay $0x3  }
0x94: {  	_ =	strace s3  }
0x95: {  	s3 =	sld [smem:$0x3FFD];
	_ =	sdelay $0x3  }
0x96: {  	_ =	strace s3  }
0x97: {  	_ =	strace $0x8FFFFFFF  }
0x98: {  	s19 =	sld [smem:$0x3FDB];
	_ =	sdelay $0x1  }
0x99: {  	s4 =	simm.s32 $_scs_section_size  }
0x9a: {  	s5 =	simm.s32 $_size__tile_overlayer_lowered;
	s6 =	simm.s32 $_tile_overlayer_lowered  }
0x9b: {  	s22 =	simm.s32 $0x1BFF;
	s21 =	sshll.u32 s6, $0x1;
	s3 =	sadd.s32 s4, s19  }
0x9c: {  	s7 =	simm.s32 $0x0;
	s20 =	sshll.u32 s5, $0x1;
	s5 =	sadd.s32 s21, s3  }
0x9d: {  	[timem:s7], [sflag:s22] =	dma.local [hbm:s5], s20  }
0x9e: {  	_ =	swait.ge [sflag:s22], s20  }
0x9f: {  	s4 =	ssub.s32 $0x0, s20;
	[sflag:s22] =	ssyncset.done $0x0  }
0xa0: {  	[sflag:s22] =	ssyncadd.s32 s4;
	_ =	sdelay $0x1  }
0xa1: {  	s23 =	simm.s32 $0x1B8B  }
0xa2: {  	_ =	swait.ge [sflag:s23], $0x1  }
0xa3: {  	[sflag:s23] =	ssyncset.done $0x0  }
0xa4: {  	s25 =	simm.s32 $0x1B8E;
	s24 =	sld [smem:$0x3FFE];
	[sflag:s23] =	ssyncadd.s32 $0xFFFFFFFF  }
0xa5: {  	s26 =	simm.s32 $execute0_lowered;
	[smem:$0x3FD2] =	sst s25  }
0xa6: {  	s5 =	sshll.u32 s26, $0x1;
	_ =	strace $0x80000049;
	[dreg:$0x1] =	wrdreg $0xFFFFFFFF  }
0xa7: {  	s28 =	simm.s32 $_size_execute0_lowered;
	s3 =	sadd.s32 s3, s5;
	[dreg:$0x0] =	wrdreg $0x0  }
0xa8: {  	s5 =	sshll.u32 s28, $0x1;
	[dreg:$0x2] =	wrdreg s3  }
0xa9: {  	[dreg:$0x3] =	wrdreg s5  }
0xaa: {  	[dreg:$0x4] =	wrdreg $0xC0  }
0xab: {  	_ =	task [dreg:s7], $0x5FFFF  }
0xac: {  	[dreg:$0x1] =	wrdreg $0xFFFFFFFF  }
0xad: {  	[dreg:$0x0] =	wrdreg $0x60  }
0xae: {  	[dreg:$0x2] =	wrdreg s24  }
0xaf: {  	[dreg:$0x3] =	wrdreg s2  }
0xb0: {  	[dreg:$0x4] =	wrdreg $0x81000  }
0xb1: {  	[dreg:$0x5] =	wrdreg $0x9  }
0xb2: {  	_ =	task.clear_ibuf [dreg:s7], $0x6FFFF;
	_ =	strace $0x90000049  }
0xb3: {  	s29 =	simm.s32 $0x9;
	_ =	strace $0x8000004B  }
0xb4: {  	_ =	swait.ge [sflag:s29], $0x1  }
0xb5: {  	[sflag:s29] =	ssyncadd.s32 $0xFFFFFFFF  }
0xb6: {  	_ =	strace $0x9000004B  }
0xb7: {  	_ =	sfence  }
0xb8: {  	s30 =	sld [smem:$0x0];
	_ =	sdelay $0x2  }
0xb9: {  	s31 =	sshll.u32 s1, $0xD;
	s1 =	sshrl.u32 s1, $0x2  }
0xba: {  	s3 =	sand.u32 $0x4000, s31;
	s1 =	sadd.s32 s1, s30  }
0xbb: {  	s0 =	sor.u32 s3, s0;
	s1 =	sshll.u32 s1, $0x11  }
0xbc: {  	s0 =	sor.u32 s1, s0  }
0xbd: {  	s0 =	sadd.s32 $0x8F2B, s0  }
0xbe: {  	[sflag:s0] =	ssyncadd.remote.s32 $0x1  }
0xbf: {  	_ =	sfence.sel $0xFFFF  }
0xc0: {  	[dreg:$0x0] =	wrdreg $0xFFFFFFFF;
	(pc) =	sbr.abs _section_cstart, $3  }
0xc1: {  	[dreg:$0x1] =	wrdreg $0xFFFFFFFF  }
0xc2: {  	_ =	task.clear_ibuf [dreg:s7], $0x2FFFF;
	_ =	strace $0x9FFFFFFF  }
0xc3: {  	(tm) =	ssettm $0x7FFFFFFF  }
tec
execute0_lowered:
.L_overlay_start_1:
0x0: {  	(tag) =	ssettag $0x1  }
0x1: {  	s7 =	rddreg [dreg:$0x0]  }
0x2: {  	s2 =	rddreg [dreg:$0x1]  }
0x3: {  	s3 =	rddreg [dreg:$0x2];
	s1 =	stileid.u32  }
0x4: {  	s4 =	simm.s32 $0x0;
	s5 =	srdreg.scid;
	s17 =	simm.s32 $0x80  }
0x5: {  	s18 =	simm.s32 $0x7100;
	s19 =	simm.s32 $0x0;
	s6 =	smul.u32 $0x3E, s1  }
0x6: {  	[smem:$0x7FF] =	sst s4;
	s8 =	sand.u32 $0x1, s5;
	s5 =	smul.u32 $0x60, s1  }
0x7: {  	s9 =	smul.u32 $0x5000, s1;
	s31 =	sshll.u32 s1, $0x6;
	p0 =	seq.s32 s8, $0x0  }
0x8: {  	s10 =	smul.u32 $0x50000, s8;
	s8 =	ssub.s32 $0x2, s8;
	s6 =	sadd.s32 $0x600, s6  }
0x9: {  	_ =	strace $0x8000004A;
	s22 =	sshrl.u32 s8, $0x1;
	s6 =	smov.u32 @p0 s5  }
0xa: {  	s5 =	simm.s32 $0x60;
	s10 =	sadd.s32 s9, s10;
	s14 =	ssub.s32 s8, s22  }
0xb: {  	s9 =	sshrl.u32 s9, $0x1;
	s6 =	sshll.u32 s6, $0x4;
	s5 =	simm.s32 @!p0 $0x3E  }
0xc: {  	s10 =	sshrl.u32 s10, $0x4;
	s16 =	sadd.s32 s9, s3;
	s12 =	smul.u32 $0x56, s5  }
0xd: {  	s11 =	sadd.s32 s6, s7;
	s6 =	sadd.s32 $0x30200, s7;
	s13 =	sadd.s32 s10, s7  }
0xe: {  	s30 =	sshll.u32 s5, $0x2;
	s16 =	sshrl.u32 s16, $0x3;
	s23 =	sadd.s32 $0xFFFFFEFE, s12  }
0xf: {  	s7 =	sadd.s32 $0xC600, s11;
	s25 =	sadd.s32 $0xFFFFFF54, s12;
	s24 =	sshrl.u32 s23, $0x8  }
0x10: {  	s12 =	sadd.s32 $0xFFFFFFAA, s12;
	s8 =	sshrl.u32 s25, $0x8;
	s10 =	smul.u32 $0x3, s24  }
0x11: {  	[dreg:$0x4] =	wrdreg s30;
	s12 =	sshrl.u32 s12, $0x8;
	s15 =	smul.u32 $0x3, s8  }
0x12: {  	s8 =	sadd.s32 $0x2000, s11;
	s26 =	smul.u32 $0x3, s12;
	s12 =	sadd.s32 $0x17200, s13  }
0x13: {  	s13 =	smax.u32 s14, $0x1;
	s14 =	simm.s32 $0x7;
	s28 =	ssub.s32 s5, s10  }
0x14: {  	s29 =	ssub.s32 s5, s15;
	s11 =	sxor.u32 $0xFFFFFFFF, s26;
	s15 =	sor.u32 $0x1C07, s31  }
0x15: {  	s9 =	sadd.s32 $0xFFFFFFFD, s28;
	s10 =	sadd.s32 $0xFFFFFFFE, s29;
	s11 =	sadd.s32 s5, s11  }
0x16: {  	s9 =	sor.u32 $0x4, s9;
	s10 =	sor.u32 $0x4, s10;
	s11 =	sor.u32 $0x4, s11  }
0x17: {  	s9 =	sand.u32 $0xFF, s9;
	s10 =	sand.u32 $0xFF, s10;
	s11 =	sand.u32 $0xFF, s11  }
.LBB2_1:
0x18: {  	[tilespmem:s4], [sflag:$0x7] =	stream.linear.gather [hbm4b:s7+s4], $0x3480, $0x38;
	[tilespmem:$0xA900] =	vst v63  }
0x19: {  	_ =	swait.ge [sflag:s14], $0x3480  }
0x1a: {  	[sflag:s14] =	ssyncset.done $0x0  }
0x1b: {  	s20 =	simm.s32 $0x3480;
	[sflag:s14] =	ssyncadd.s32 $0xFFFFCB80  }
0x1c: {  	[tilespmem:s20], [sflag:$0x7] =	stream.linear.gather [hbm4b:s8+s4], $0x3480, $0x38;
	[tilespmem:$0xA900] =	vst v63  }
0x1d: {  	_ =	swait.ge [sflag:s14], $0x3480  }
0x1e: {  	[sflag:s14] =	ssyncset.done $0x0  }
0x1f: {  	[sflag:s14] =	ssyncadd.s32 $0xFFFFCB80  }
0x20: {  	[spmem:s16], [sflag:s15] =	dma.local [hbm:s6], $0x500  }
0x21: {  	_ =	swait.ge [sflag:s14], $0x500  }
0x22: {  	[sflag:s14] =	ssyncset.done $0x0  }
0x23: {  	s21 =	simm.s32 $0x6900;
	s22 =	simm.s32 $0xFFFFFFFF;
	[sflag:s14] =	ssyncadd.s32 $0xFFFFFB00  }
0x24: {  	s23 =	simm.s32 $0x2;
	s24 =	simm.s32 $0x7900;
	[bflag:$0x0] =	sbarrier.arrive $0xFFFF  }
0x25: {  	[tilespmem:s21], [sflag:$0x1] =	stream.indirect.gather [hbm4b:s2+s17], $0x10, s4, s17, $0xb8;
	[tilespmem:$0xA900] =	vst v63  }
0x26: {  	s25 =	simm.s32 $0x100;
	s26 =	simm.s32 $0x0;
	s28 =	simm.s32 $0x0  }
0x27: {  	[tilespmem:s18], [sflag:$0x2] =	stream.indirect.gather [hbm4b:s2+s17], $0x10, s17, s17, $0xb8;
	[tilespmem:$0xA900] =	vst v63  }
.LBB2_2:
0x28: {  	s29 =	smulhi.u32 $0xAAAAAAAB, s28;
	_ =	sdelay $0x1  }
0x29: {  	s29 =	sshrl.u32 s29, $0x1  }
0x2a: {  	s30 =	smul.u32 $0xFFFFFFF4, s29;
	_ =	sdelay $0x1  }
0x2b: {  	s31 =	sshra.s32 s26, $0x2;
	s0 =	smulhi.u32 $0xAAAAAAAB, s22;
	s30 =	sshra.s32 s30, $0x2  }
0x2c: {  	s29 =	smul.u32 $0xFFFFA000, s29;
	s30 =	sadd.s32 s31, s30  }
0x2d: {  	p0 =	sge.u32 s23, s5;
	s31 =	sadd.s32 $0x1, s30  }
0x2e: {  	s0 =	sshrl.u32 s0, $0x1;
	s29 =	sshra.s32 s29, $0x2;
	_ =	swait.ge [sflag:s31], $0x800  }
0x2f: {  	s0 =	smul.u32 $0xFFFFFFF4, s0;
	s29 =	sadd.s32 s29, s21;
	[sflag:s31] =	ssyncset.done $0x0  }
0x30: {  	s30 =	sadd.s32 $0x4, s30;
	[sflag:s31] =	ssyncadd.s32 $0xFFFFF800;
	s31 =	smulhi.u32 $0xAAAAAAAB, s23  }
0x31: {  	[spmem:s3] =	stream.indirect.scatter.add.bf16 [tilespmem:s29], [sflag:s30], $0x10, s20, s17, $0xb8;
	[tilespmem:$0xA900] =	vst v63  }
0x32: {  	p1 =	seq.s32 @!p0 s26, $0x0;
	s29 =	sshrl.u32 s31, $0x1  }
0x33: {  	p1 =	por p1, p0;
	s0 =	sshra.s32 s0, $0x2;
	s30 =	smul.u32 $0xFFFFFFF4, s29  }
0x34: {  	s0 =	sadd.s32 $0x3, s0;
	s31 =	sshra.s32 @!p1 s26, $0x2;
	s29 =	smul.u32 $0xFFFFA000, s29  }
0x35: {  	s0 =	sadd.s32 @!p1 s31, s0  }
0x36: {  	_ =	swait.ge @!p1 [sflag:s0], $0x800;
	s30 =	sshra.s32 s30, $0x2;
	s29 =	sshra.s32 s29, $0x2  }
0x37: {  	[sflag:s0] =	ssyncset.done @!p1 $0x0;
	s31 =	rddreg [dreg:$0x4];
	s30 =	sadd.s32 $0x3, s30  }
0x38: {  	s29 =	sadd.s32 s29, s24;
	[sflag:s0] =	ssyncadd.s32 @!p1 $0xFFFFF800;
	s0 =	sshra.s32 @!p0 s26, $0x2  }
0x39: {  	s26 =	sadd.s32 $0x4, s26;
	s0 =	sadd.s32 @!p0 s0, s30;
	s30 =	simm.s32 @!p0 $0x80  }
0x3a: {  	[tilespmem:s29], [sflag:s0] =	stream.indirect.gather @!p0 [hbm4b:s2+s30], $0x10, s25, s30, $0xb8;
	[tilespmem:$0xA900] =	vst v63  }
0x3b: {  	p0 =	sne.s32 s31, s26  }
.Ltmp0:
0x3c: {  	_ = 	snop;
	(pc) =	sbr.rel @p0 .LBB2_2-.Ltmp0, $4  }
0x3d: {  	_ = 	snop  }
0x3e: {  	s28 =	sadd.s32 $0x1, s28  }
0x3f: {  	s22 =	sadd.s32 $0x1, s22;
	s21 =	sadd.s32 $0x800, s21;
	s23 =	sadd.s32 $0x1, s23  }
0x40: {  	s20 =	sadd.s32 $0x80, s20;
	s24 =	sadd.s32 $0x800, s24;
	s25 =	sadd.s32 $0x80, s25  }
0x41: {  	_ =	swait.ge [sflag:s9], $0x800  }
0x42: {  	[sflag:s9] =	ssyncset.done $0x0  }
0x43: {  	[sflag:s9] =	ssyncadd.s32 $0xFFFFF800  }
0x44: {  	_ =	swait.ge [sflag:s10], $0x800  }
0x45: {  	[sflag:s10] =	ssyncset.done $0x0  }
0x46: {  	[sflag:s10] =	ssyncadd.s32 $0xFFFFF800  }
0x47: {  	_ =	swait.ge [sflag:s11], $0x800  }
0x48: {  	s19 =	sadd.s32 $0x1, s19;
	[sflag:s11] =	ssyncset.done $0x0  }
0x49: {  	p0 =	sne.s32 s19, s13;
	[sflag:s11] =	ssyncadd.s32 $0xFFFFF800  }
.Ltmp1:
0x4a: {  	[bflag:$0x0] =	sbarrier.arrive $0xFFFF;
	(pc) =	sbr.rel @p0 .LBB2_1-.Ltmp1, $4  }
0x4b: {  	[hbm:s12], [sflag:s15] =	dma.local [spmem:s16], $0x500  }
0x4c: {  	_ =	swait.ge [sflag:s14], $0x500  }
0x4d: {  	[sflag:s14] =	ssyncset.done $0x0  }
0x4e: {  	[sflag:s14] =	ssyncadd.s32 $0xFFFFFB00  }
0x4f: {  	_ =	sfence.sel $0x180000  }
0x50: {  	[bflag:$0x0] =	sbarrier.arrive $0xFFFF  }
0x51: {  	_ =	strace $0x9000004A  }
0x52: {  	[bflag:$0x2] =	sbarrier.arrive $0xFFFF  }
0x53: {  	p0 =	sne.s32 s1, $0x0;
	s0 =	rddreg [dreg:$0x3]  }
0x54: {  	s0 =	sadd.s32 @!p0 $0x100000, s0  }
0x55: {  	[sflag:s0] =	ssyncadd.tile.s32 @!p0 $0x1;
	_ =	shalt  }
.Lfunc_end2:
_tile_overlayer_lowered:
.L_overlay_start_2:
0x56: {  	(tag) =	ssettag $0x2  }
0x57: {  	s0 =	rddreg [dreg:$0x0];
	s2 =	stileid.u32  }
0x58: {  	s1 =	rddreg [dreg:$0x1];
	p0 =	sne.s32 s2, $0x0  }
0x59: {  	s3 =	rddreg [dreg:$0x2];
	[bflag:$0x3] =	sbarrier.arrive $0xFFFF;
	s2 =	simm.s32 @!p0 $0x1C07  }
0x5a: {  	[timem:s3], [sflag:s2] =	dma.local @!p0 [hbm:s0], s1  }
0x5b: {  	s0 =	simm.s32 @!p0 $0x7  }
0x5c: {  	_ =	swait.ge @!p0 [sflag:s0], s1  }
0x5d: {  	s1 =	ssub.s32 @!p0 $0x0, s1;
	[sflag:s0] =	ssyncset.done @!p0 $0x0  }
0x5e: {  	[sflag:s0] =	ssyncadd.s32 @!p0 s1  }
0x5f: {  	[bflag:$0x3] =	sbarrier.arrive $0xFFFF  }
0x60: {  	_ =	shalt  }

// kernel: kernel.7.cloned.1.call-start
scs
__scs_entry_jumppad:
0x0: {  	(pc) =	sbr.rel $0x88, $3  }
0x1: {  	(tag) =	ssettag $0x0;
	lr =	simm.s32 $0x1  }
0x2: {  	[smem:$0x3F99] =	sst lr;
	_ =	strace $0xD0000000  }
0x3: {  	_ = 	snop  }
0x4: {  	_ = 	snop  }
0x5: {  	_ = 	snop  }
0x6: {  	_ = 	snop  }
0x7: {  	_ = 	snop  }
__scs_overlays_trampoline_lowered:
0x8: {  	[smem:$0x3FA8] =	sst s0  }
0x9: {  	[smem:$0x3FA9] =	sst s1  }
0xa: {  	[smem:$0x3FAA] =	sst s2  }
0xb: {  	[smem:$0x3FAB] =	sst s3  }
0xc: {  	[smem:$0x3FAC] =	sst s4  }
0xd: {  	[smem:$0x3FAD] =	sst s5  }
0xe: {  	[smem:$0x3FAE] =	sst s6  }
0xf: {  	[smem:$0x3FAF] =	sst s7  }
0x10: {  	[smem:$0x3FB0] =	sst s8  }
0x11: {  	[smem:$0x3FB1] =	sst s9;
	s0 =	simm.s32 @!p0 $0x0  }
0x12: {  	s1 =	sld [smem:$0x3F97];
	s0 =	simm.s32 @p0 $0x1  }
0x13: {  	[smem:$0x3FB2] =	sst s0;
	s0 =	simm.s32 @!p1 $0x0  }
0x14: {  	s2 =	sld [smem:$0x3F96];
	s0 =	simm.s32 @p1 $0x1  }
0x15: {  	[smem:$0x3FB3] =	sst s0;
	s0 =	simm.s32 @!p2 $0x0  }
0x16: {  	s3 =	sld [smem:$0x3FDB];
	s0 =	simm.s32 @p2 $0x1  }
0x17: {  	s4 =	simm.s32 $0x1BF5;
	[smem:$0x3FB5] =	sst s0  }
0x18: {  	s0 =	sld [smem:$0x3F98];
	_ =	swait.ge [sflag:s4], $0x0  }
0x19: {  	s7 =	sld [smem:$0x3F99]  }
0x1a: {  	s8 =	sadd.s32 $0xFFFFE003, lr  }
0x1b: {  	s9 =	sadd.s32 $0xFFFFFEF7, lr;
	s5 =	simm.s32 $0xFFFFFFFF;
	p2 =	slt.u32 s8, $0xFFFFF086  }
0x1c: {  	p1 =	slt.u32 s9, $0xF7A;
	s5 =	simm.s32 @!p2 $0x0  }
0x1d: {  	s5 =	simm.s32 @p1 $0x1;
	p0 =	seq.s32 s7, s2  }
0x1e: {  	s7 =	smul.u32 @!p0 $0xF7A, s2;
	p2 =	seq.s32 @!p0 s5, $0x0  }
0x1f: {  	s9 =	smul.u32 $0xF7A, s1;
	s8 =	simm.s32 @!p0 $0x1BF5;
	p2 =	por !p2, p0  }
0x20: {  	[sflag:s8] =	ssyncset.s32 @!p0 $0xFFFFF086;
	s6 =	sadd.s32 @!p0 s3, s7;
	s7 =	simm.s32 @!p0 $0x108  }
0x21: {  	s3 =	sadd.s32 s3, s9;
	s6 =	sadd.s32 @!p0 $0x88, s6;
	s7 =	simm.s32 @p2 $0x1082  }
0x22: {  	[simem:s7], [sflag:s8] =	dma.local @!p0 [hbm:s6], $0xF7A  }
0x23: {  	s9 =	sor.u32 $0xD0000000, s2;
	s6 =	simm.s32 $0x108;
	_ =	swait.ge @!p0 [sflag:s8], $0x0  }
0x24: {  	s3 =	sadd.s32 $0x88, s3;
	s6 =	simm.s32 @!p1 $0x1082;
	[sflag:s4] =	ssyncset.s32 $0xFFFFF086  }
0x25: {  	[simem:s6], [sflag:s4] =	dma.local [hbm:s3], $0xF7A  }
0x26: {  	[smem:$0x3F99] =	sst s1;
	(tag) =	ssettag s2;
	_ =	strace s9  }
0x27: {  	s1 =	sld [smem:$0x3FA9]  }
0x28: {  	s2 =	sld [smem:$0x3FAA]  }
0x29: {  	s4 =	sld [smem:$0x3FAC]  }
0x2a: {  	p0 =	seq.s32 s5, $0x0;
	s5 =	sld [smem:$0x3FAD]  }
0x2b: {  	s6 =	sld [smem:$0x3FAE]  }
0x2c: {  	s7 =	sld [smem:$0x3FAF]  }
0x2d: {  	s3 =	simm.s32 $0x108;
	s8 =	sld [smem:$0x3FB0]  }
0x2e: {  	s3 =	simm.s32 @!p0 $0x1082;
	s9 =	sld [smem:$0x3FB1]  }
0x2f: {  	lr =	sadd.s32 s0, s3;
	s0 =	sld [smem:$0x3FA8]  }
0x30: {  	s3 =	sld [smem:$0x3FAB]  }
0x31: {  	[smem:$0x3FB4] =	sst s10  }
0x32: {  	s10 =	sld [smem:$0x3FB2];
	_ =	sdelay $0x3  }
0x33: {  	p0 =	seq.s32 s10, $0x1;
	s10 =	sld [smem:$0x3FB4];
	_ =	sdelay $0x3  }
0x34: {  	[smem:$0x3FB4] =	sst s10  }
0x35: {  	s10 =	sld [smem:$0x3FB3];
	_ =	sdelay $0x3  }
0x36: {  	p1 =	seq.s32 s10, $0x1;
	s10 =	sld [smem:$0x3FB4];
	_ =	sdelay $0x3  }
0x37: {  	[smem:$0x3FB4] =	sst s10  }
0x38: {  	s10 =	sld [smem:$0x3FB5]  }
0x39: {  	_ = 	snop;
	(pc) =	sbr.ind lr, $3  }
0x3a: {  	_ = 	snop  }
0x3b: {  	_ = 	snop  }
0x3c: {  	p2 =	seq.s32 s10, $0x1;
	s10 =	sld [smem:$0x3FB4]  }
0x3d: {  	_ =	shalt  }
0x3e: {  	_ =	shalt  }
0x3f: {  	_ =	shalt  }
0x40: {  	_ =	shalt  }
0x41: {  	_ =	shalt  }
0x42: {  	_ =	shalt  }
0x43: {  	_ =	shalt  }
0x44: {  	_ =	shalt  }
0x45: {  	_ =	shalt  }
0x46: {  	_ =	shalt  }
0x47: {  	_ =	shalt  }
0x48: {  	_ =	shalt  }
0x49: {  	_ =	shalt  }
0x4a: {  	_ =	shalt  }
0x4b: {  	_ =	shalt  }
0x4c: {  	_ =	shalt  }
0x4d: {  	_ =	shalt  }
0x4e: {  	_ =	shalt  }
0x4f: {  	_ =	shalt  }
0x50: {  	_ =	shalt  }
0x51: {  	_ =	shalt  }
0x52: {  	_ =	shalt  }
0x53: {  	_ =	shalt  }
0x54: {  	_ =	shalt  }
0x55: {  	_ =	shalt  }
0x56: {  	_ =	shalt  }
0x57: {  	_ =	shalt  }
0x58: {  	_ =	shalt  }
0x59: {  	_ =	shalt  }
0x5a: {  	_ =	shalt  }
0x5b: {  	_ =	shalt  }
0x5c: {  	_ =	shalt  }
0x5d: {  	_ =	shalt  }
0x5e: {  	_ =	shalt  }
0x5f: {  	_ =	shalt  }
0x60: {  	_ =	shalt  }
0x61: {  	_ =	shalt  }
0x62: {  	_ =	shalt  }
0x63: {  	_ =	shalt  }
0x64: {  	_ =	shalt  }
0x65: {  	_ =	shalt  }
0x66: {  	_ =	shalt  }
0x67: {  	_ =	shalt  }
0x68: {  	_ =	shalt  }
0x69: {  	_ =	shalt  }
0x6a: {  	_ =	shalt  }
0x6b: {  	_ =	shalt  }
0x6c: {  	_ =	shalt  }
0x6d: {  	_ =	shalt  }
0x6e: {  	_ =	shalt  }
0x6f: {  	_ =	shalt  }
0x70: {  	_ =	shalt  }
0x71: {  	_ =	shalt  }
0x72: {  	_ =	shalt  }
0x73: {  	_ =	shalt  }
0x74: {  	_ =	shalt  }
0x75: {  	_ =	shalt  }
0x76: {  	_ =	shalt  }
0x77: {  	_ =	shalt  }
0x78: {  	_ =	shalt  }
0x79: {  	_ =	shalt  }
0x7a: {  	_ =	shalt  }
0x7b: {  	_ =	shalt  }
0x7c: {  	_ =	shalt  }
0x7d: {  	_ =	shalt  }
0x7e: {  	_ =	shalt  }
0x7f: {  	_ =	shalt  }
0x80: {  	_ =	shalt  }
0x81: {  	_ =	shalt  }
0x82: {  	_ =	shalt  }
0x83: {  	_ =	shalt  }
0x84: {  	_ =	shalt  }
0x85: {  	_ =	shalt  }
0x86: {  	_ =	shalt  }
0x87: {  	_ =	shalt  }
.Lfunc_end0:
.L_simem_size_0:
called_computation_lowered:
.L_overlay_start_0:
0x88: {  	s2 =	sld [smem:$0x3FD9]  }
0x89: {  	s3 =	sld [smem:$0x3FFE];
	_ =	sdelay $0x1  }
0x8a: {  	s1 =	srdreg.scid  }
0x8b: {  	s0 =	sand.u32 $0x1, s1  }
0x8c: {  	s17 =	sshll.u32 s0, $0xA;
	s2 =	sadd.s32 s3, s2  }
0x8d: {  	s2 =	sadd.s32 s2, s17  }
0x8e: {  	[smem:$0x3FC0] =	sst s2  }
0x8f: {  	_ = 	snop  }
0x90: {  	s2 =	sld [smem:$0x3FD0];
	(tm) =	ssettm $0x1  }
0x91: {  	s18 =	sld [smem:$0x3FFB];
	_ =	sdelay $0x3  }
0x92: {  	_ =	strace s18  }
0x93: {  	s3 =	sld [smem:$0x3FFC];
	_ =	sdelay $0x3  }
0x94: {  	_ =	strace s3  }
0x95: {  	s3 =	sld [smem:$0x3FFD];
	_ =	sdelay $0x3  }
0x96: {  	_ =	strace s3  }
0x97: {  	_ =	strace $0x8FFFFFFF  }
0x98: {  	s19 =	sld [smem:$0x3FDB];
	_ =	sdelay $0x1  }
0x99: {  	s4 =	simm.s32 $_scs_section_size  }
0x9a: {  	s5 =	simm.s32 $_size__tile_overlayer_lowered;
	s6 =	simm.s32 $_tile_overlayer_lowered  }
0x9b: {  	s22 =	simm.s32 $0x1BFF;
	s21 =	sshll.u32 s6, $0x1;
	s3 =	sadd.s32 s4, s19  }
0x9c: {  	s7 =	simm.s32 $0x0;
	s20 =	sshll.u32 s5, $0x1;
	s5 =	sadd.s32 s21, s3  }
0x9d: {  	[timem:s7], [sflag:s22] =	dma.local [hbm:s5], s20  }
0x9e: {  	_ =	swait.ge [sflag:s22], s20  }
0x9f: {  	s4 =	ssub.s32 $0x0, s20;
	[sflag:s22] =	ssyncset.done $0x0  }
0xa0: {  	[sflag:s22] =	ssyncadd.s32 s4;
	_ =	sdelay $0x1  }
0xa1: {  	s23 =	simm.s32 $0x1B8B  }
0xa2: {  	_ =	swait.ge [sflag:s23], $0x1  }
0xa3: {  	[sflag:s23] =	ssyncset.done $0x0  }
0xa4: {  	s25 =	simm.s32 $0x1B8E;
	s24 =	sld [smem:$0x3FFE];
	[sflag:s23] =	ssyncadd.s32 $0xFFFFFFFF  }
0xa5: {  	s26 =	simm.s32 $execute0_lowered;
	[smem:$0x3FD2] =	sst s25  }
0xa6: {  	s5 =	sshll.u32 s26, $0x1;
	_ =	strace $0x80000046;
	[dreg:$0x1] =	wrdreg $0xFFFFFFFF  }
0xa7: {  	s28 =	simm.s32 $_size_execute0_lowered;
	s3 =	sadd.s32 s3, s5;
	[dreg:$0x0] =	wrdreg $0x0  }
0xa8: {  	s5 =	sshll.u32 s28, $0x1;
	[dreg:$0x2] =	wrdreg s3  }
0xa9: {  	[dreg:$0x3] =	wrdreg s5  }
0xaa: {  	[dreg:$0x4] =	wrdreg $0xC0  }
0xab: {  	_ =	task [dreg:s7], $0x5FFFF  }
0xac: {  	[dreg:$0x1] =	wrdreg $0xFFFFFFFF  }
0xad: {  	[dreg:$0x0] =	wrdreg $0x60  }
0xae: {  	[dreg:$0x2] =	wrdreg s24  }
0xaf: {  	[dreg:$0x3] =	wrdreg s2  }
0xb0: {  	[dreg:$0x4] =	wrdreg $0x99000  }
0xb1: {  	[dreg:$0x5] =	wrdreg $0xED000  }
0xb2: {  	[dreg:$0x6] =	wrdreg $0x9  }
0xb3: {  	_ =	task.clear_ibuf [dreg:s7], $0x7FFFF;
	_ =	strace $0x90000046  }
0xb4: {  	s29 =	simm.s32 $0x9;
	_ =	strace $0x80000048  }
0xb5: {  	_ =	swait.ge [sflag:s29], $0x1  }
0xb6: {  	[sflag:s29] =	ssyncadd.s32 $0xFFFFFFFF  }
0xb7: {  	_ =	strace $0x90000048  }
0xb8: {  	_ =	sfence  }
0xb9: {  	s30 =	sld [smem:$0x0];
	_ =	sdelay $0x2  }
0xba: {  	s31 =	sshll.u32 s1, $0xD;
	s1 =	sshrl.u32 s1, $0x2  }
0xbb: {  	s3 =	sand.u32 $0x4000, s31;
	s1 =	sadd.s32 s1, s30  }
0xbc: {  	s0 =	sor.u32 s3, s0;
	s1 =	sshll.u32 s1, $0x11  }
0xbd: {  	s0 =	sor.u32 s1, s0  }
0xbe: {  	s0 =	sadd.s32 $0x8F2B, s0  }
0xbf: {  	[sflag:s0] =	ssyncadd.remote.s32 $0x1  }
0xc0: {  	_ =	sfence.sel $0xFFFF  }
0xc1: {  	[dreg:$0x0] =	wrdreg $0xFFFFFFFF;
	(pc) =	sbr.abs _section_cstart, $3  }
0xc2: {  	[dreg:$0x1] =	wrdreg $0xFFFFFFFF  }
0xc3: {  	_ =	task.clear_ibuf [dreg:s7], $0x2FFFF;
	_ =	strace $0x9FFFFFFF  }
0xc4: {  	(tm) =	ssettm $0x7FFFFFFF  }
0xc5: {  	_ =	shalt  }
tec
execute0_lowered:
.L_overlay_start_1:
0x0: {  	(tag) =	ssettag $0x1  }
0x1: {  	s0 =	rddreg [dreg:$0x0]  }
0x2: {  	s2 =	rddreg [dreg:$0x1]  }
0x3: {  	s3 =	rddreg [dreg:$0x2]  }
0x4: {  	s4 =	rddreg [dreg:$0x3];
	s8 =	stileid.u32  }
0x5: {  	s1 =	srdreg.scid;
	s6 =	smul.u32 $0x3E, s8  }
0x6: {  	s5 =	simm.s32 $0x0;
	s1 =	sand.u32 $0x1, s1;
	s7 =	smul.u32 $0x60, s8  }
0x7: {  	[smem:$0x7FF] =	sst s5;
	s31 =	smul.u32 $0xA000, s8;
	s10 =	sadd.s32 $0x1600, s0  }
0x8: {  	s14 =	smul.u32 $0x1400, s8;
	s15 =	sadd.s32 $0x16C00, s0;
	s8 =	simm.s32 $0x60  }
0x9: {  	s12 =	sadd.s32 $0x17000, s0;
	_ =	strace $0x80000047;
	[dreg:$0x6] =	wrdreg s10  }
0xa: {  	p0 =	seq.s32 s1, $0x0;
	s9 =	smul.u32 $0xA0000, s1;
	[dreg:$0x7] =	wrdreg s15  }
0xb: {  	s11 =	smul.u32 $0x14000, s1;
	[dreg:$0x8] =	wrdreg s12;
	s1 =	ssub.s32 $0x2, s1  }
0xc: {  	s6 =	sadd.s32 $0x600, s6;
	s8 =	simm.s32 @!p0 $0x3E;
	s17 =	sshrl.u32 s1, $0x1  }
0xd: {  	s10 =	sadd.s32 s14, s4;
	s6 =	smov.u32 @p0 s7;
	s9 =	sadd.s32 s31, s9  }
0xe: {  	s11 =	sadd.s32 s14, s11;
	s16 =	smul.u32 $0x56, s8;
	s1 =	ssub.s32 s1, s17  }
0xf: {  	s7 =	sshrl.u32 s31, $0x1;
	[dreg:$0xc] =	wrdreg s10;
	s31 =	sshll.u32 s8, $0x2  }
0x10: {  	s6 =	sshll.u32 s6, $0x4;
	s9 =	sshrl.u32 s9, $0x4;
	s11 =	sshrl.u32 s11, $0x3  }
0x11: {  	s7 =	sadd.s32 s7, s3;
	s30 =	smax.u32 s1, $0x1;
	[dreg:$0x5] =	wrdreg s31  }
0x12: {  	s6 =	sadd.s32 s6, s0;
	s9 =	sadd.s32 s9, s0;
	s0 =	sadd.s32 s11, s0  }
0x13: {  	s13 =	sadd.s32 $0xFFFFFEFE, s16;
	s21 =	sadd.s32 $0xFFFFFF54, s16;
	[dreg:$0xb] =	wrdreg s7  }
0x14: {  	s12 =	sadd.s32 $0xFFFFFFAA, s16;
	[dreg:$0xf] =	wrdreg s30;
	s18 =	sadd.s32 $0xC600, s6  }
0x15: {  	s19 =	sshrl.u32 s13, $0x8;
	s6 =	sadd.s32 $0x2000, s6;
	s11 =	sshrl.u32 s21, $0x8  }
0x16: {  	s22 =	sshrl.u32 s12, $0x8;
	[dreg:$0x9] =	wrdreg s18;
	s20 =	smul.u32 $0x3, s19  }
0x17: {  	s29 =	sadd.s32 $0x1C200, s9;
	[dreg:$0xa] =	wrdreg s6;
	s11 =	smul.u32 $0x3, s11  }
0x18: {  	s0 =	sadd.s32 $0x17200, s0;
	s23 =	smul.u32 $0x3, s22;
	[dreg:$0xd] =	wrdreg s29  }
0x19: {  	s28 =	simm.s32 $0x0;
	[dreg:$0xe] =	wrdreg s0  }
0x1a: {  	s6 =	ssub.s32 s8, s20;
	s24 =	ssub.s32 s8, s11;
	s7 =	sxor.u32 $0xFFFFFFFF, s23  }
0x1b: {  	s23 =	simm.s32 $0xA;
	s6 =	sadd.s32 $0xFFFFFFFD, s6;
	s10 =	sadd.s32 $0xFFFFFFFE, s24  }
0x1c: {  	s7 =	sadd.s32 s8, s7;
	s24 =	simm.s32 $0xE900;
	s6 =	sand.u32 $0xFF, s6  }
0x1d: {  	s25 =	sand.u32 $0xFF, s10;
	s26 =	sand.u32 $0xFF, s7;
	s14 =	sor.u32 $0x4, s6  }
0x1e: {  	s15 =	sadd.s32 $0x7, s6;
	s16 =	sor.u32 $0x4, s25;
	s17 =	sadd.s32 $0x7, s25  }
0x1f: {  	s18 =	sor.u32 $0x4, s26;
	s19 =	sadd.s32 $0x7, s26;
	s25 =	simm.s32 $0x80  }
.LBB2_1:
0x20: {  	s0 =	rddreg [dreg:$0x9]  }
0x21: {  	[tilespmem:s5], [sflag:$0xA] =	stream.linear.gather [hbm4b:s0+s5], $0x3480, $0x38;
	[tilespmem:$0x10100] =	vst v63  }
0x22: {  	_ =	swait.ge [sflag:s23], $0x3480  }
0x23: {  	s12 =	stileid.u32;
	[sflag:s23] =	ssyncset.done $0x0  }
0x24: {  	s0 =	simm.s32 $0x3480;
	s1 =	rddreg [dreg:$0xa];
	[sflag:s23] =	ssyncadd.s32 $0xFFFFCB80  }
0x25: {  	[tilespmem:s0], [sflag:$0xA] =	stream.linear.gather [hbm4b:s1+s5], $0x3480, $0x38;
	[tilespmem:$0x10100] =	vst v63  }
0x26: {  	s1 =	sshll.u32 s12, $0x6;
	_ =	swait.ge [sflag:s23], $0x3480  }
0x27: {  	s29 =	sor.u32 $0x1C0A, s1;
	[sflag:s23] =	ssyncset.done $0x0;
	s13 =	rddreg [dreg:$0xb]  }
0x28: {  	s20 =	rddreg [dreg:$0x6];
	[sflag:s23] =	ssyncadd.s32 $0xFFFFCB80;
	s30 =	sshrl.u32 s13, $0x3  }
0x29: {  	[spmem:s30], [sflag:s29] =	dma.local [hbm:s20], $0xA00  }
0x2a: {  	_ =	swait.ge [sflag:s23], $0xA00  }
0x2b: {  	[sflag:s23] =	ssyncset.done $0x0;
	s21 =	rddreg [dreg:$0xc]  }
0x2c: {  	s22 =	rddreg [dreg:$0x7];
	[sflag:s23] =	ssyncadd.s32 $0xFFFFF600;
	s31 =	sshrl.u32 s21, $0x3  }
0x2d: {  	[spmem:s31], [sflag:s29] =	dma.local [hbm:s22], $0x280  }
0x2e: {  	_ =	swait.ge [sflag:s23], $0x280  }
0x2f: {  	[sflag:s23] =	ssyncset.done $0x0  }
0x30: {  	s26 =	rddreg [dreg:$0x8];
	[sflag:s23] =	ssyncadd.s32 $0xFFFFFD80  }
0x31: {  	[tilespmem:s24], [sflag:$0xA] =	stream.linear.gather [hbm4b:s26+s5], $0x400, $0x38;
	[tilespmem:$0x10100] =	vst v63  }
0x32: {  	_ =	swait.ge [sflag:s23], $0x400  }
0x33: {  	[sflag:s23] =	ssyncset.done $0x0  }
0x34: {  	[sflag:s23] =	ssyncadd.s32 $0xFFFFFC00  }
0x35: {  	s6 =	simm.s32 $0x7900;
	s1 =	simm.s32 $0x6900;
	[bflag:$0x0] =	sbarrier.arrive $0xFFFF  }
0x36: {  	[tilespmem:s1], [sflag:$0x1] =	stream.indirect.gather [hbm4b:s2+s25], $0x20, s5, s25, $0xb8;
	[tilespmem:$0x10100] =	vst v63  }
0x37: {  	s7 =	simm.s32 $0x8900;
	s9 =	simm.s32 $0x100;
	s10 =	simm.s32 $0x0  }
0x38: {  	[tilespmem:s6], [sflag:$0x2] =	stream.indirect.gather [hbm4b:s2+s25], $0x20, s25, s25, $0xb8;
	[tilespmem:$0x10100] =	vst v63  }
0x39: {  	s11 =	simm.s32 $0x0;
	s26 =	simm.s32 $0xFFFFFFFF;
	s6 =	simm.s32 $0x2  }
.LBB2_2:
0x3a: {  	s12 =	smulhi.u32 $0xAAAAAAAB, s11;
	_ =	sdelay $0x1  }
0x3b: {  	s12 =	sshrl.u32 s12, $0x1  }
0x3c: {  	s13 =	smul.u32 $0xFFFFFFF4, s12;
	_ =	sdelay $0x1  }
0x3d: {  	s20 =	sshra.s32 s10, $0x2;
	s13 =	sshra.s32 s13, $0x2  }
0x3e: {  	s21 =	smulhi.u32 $0xAAAAAAAB, s26;
	s13 =	sadd.s32 s20, s13  }
0x3f: {  	s12 =	smul.u32 $0xFFFF4000, s12;
	s20 =	sadd.s32 $0x1, s13  }
0x40: {  	p0 =	sge.u32 s6, s8;
	_ =	swait.ge [sflag:s20], $0x1000  }
0x41: {  	s21 =	sshrl.u32 s21, $0x1;
	s12 =	sshra.s32 s12, $0x2;
	[sflag:s20] =	ssyncset.done $0x0  }
0x42: {  	s12 =	sadd.s32 s12, s1;
	s22 =	sadd.s32 $0x4, s13;
	[sflag:s20] =	ssyncadd.s32 $0xFFFFF000  }
0x43: {  	[spmem:s3] =	stream.indirect.scatter.add.bf16 [tilespmem:s12], [sflag:s22], $0x20, s0, s25, $0xb8;
	[tilespmem:$0x10100] =	vst v63  }
0x44: {  	p1 =	seq.s32 @!p0 s10, $0x0;
	s13 =	sadd.s32 $0x7, s13;
	s12 =	smul.u32 $0xFFFFFFF4, s21  }
0x45: {  	[spmem:s4] =	stream.indirect.scatter.add.f32 [tilespmem:s24], [sflag:s13], $0x8, s0, s25, $0xb8;
	[tilespmem:$0x10100] =	vst v63  }
0x46: {  	p1 =	por p1, p0;
	s22 =	smulhi.u32 $0xAAAAAAAB, s6;
	s12 =	sshra.s32 s12, $0x2  }
0x47: {  	s21 =	sshra.s32 @!p1 s10, $0x2;
	s13 =	sadd.s32 $0x3, s12  }
0x48: {  	s20 =	sshrl.u32 s22, $0x1;
	s13 =	sadd.s32 @!p1 s21, s13  }
0x49: {  	s22 =	smul.u32 $0xFFFFFFF4, s20;
	_ =	swait.ge @!p1 [sflag:s13], $0x1000  }
0x4a: {  	s12 =	sadd.s32 $0x6, s12;
	s20 =	smul.u32 $0xFFFF4000, s20;
	[sflag:s13] =	ssyncset.done @!p1 $0x0  }
0x4b: {  	s12 =	sadd.s32 @!p1 s21, s12;
	[sflag:s13] =	ssyncadd.s32 @!p1 $0xFFFFF000  }
0x4c: {  	s21 =	sshra.s32 s22, $0x2;
	s20 =	sshra.s32 s20, $0x2;
	_ =	swait.ge @!p1 [sflag:s12], $0x400  }
0x4d: {  	s20 =	sadd.s32 s20, s7;
	s13 =	sadd.s32 $0x3, s21;
	[sflag:s12] =	ssyncset.done @!p1 $0x0  }
0x4e: {  	s22 =	rddreg [dreg:$0x5];
	[sflag:s12] =	ssyncadd.s32 @!p1 $0xFFFFFC00;
	s12 =	sshra.s32 @!p0 s10, $0x2  }
0x4f: {  	s10 =	sadd.s32 $0x4, s10;
	s12 =	sadd.s32 @!p0 s12, s13;
	s13 =	simm.s32 @!p0 $0x80  }
0x50: {  	[tilespmem:s20], [sflag:s12] =	stream.indirect.gather @!p0 [hbm4b:s2+s13], $0x20, s9, s13, $0xb8;
	[tilespmem:$0x10100] =	vst v63  }
0x51: {  	p0 =	sne.s32 s22, s10  }
.Ltmp0:
0x52: {  	_ = 	snop;
	(pc) =	sbr.rel @p0 .LBB2_2-.Ltmp0, $4  }
0x53: {  	_ = 	snop  }
0x54: {  	s11 =	sadd.s32 $0x1, s11  }
0x55: {  	s26 =	sadd.s32 $0x1, s26;
	s1 =	sadd.s32 $0x1000, s1;
	s6 =	sadd.s32 $0x1, s6  }
0x56: {  	s0 =	sadd.s32 $0x80, s0;
	s7 =	sadd.s32 $0x1000, s7;
	s9 =	sadd.s32 $0x80, s9  }
0x57: {  	_ =	swait.ge [sflag:s14], $0x1000  }
0x58: {  	[sflag:s14] =	ssyncset.done $0x0  }
0x59: {  	[sflag:s14] =	ssyncadd.s32 $0xFFFFF000  }
0x5a: {  	_ =	swait.ge [sflag:s15], $0x400  }
0x5b: {  	[sflag:s15] =	ssyncset.done $0x0  }
0x5c: {  	[sflag:s15] =	ssyncadd.s32 $0xFFFFFC00  }
0x5d: {  	_ =	swait.ge [sflag:s16], $0x1000  }
0x5e: {  	[sflag:s16] =	ssyncset.done $0x0  }
0x5f: {  	[sflag:s16] =	ssyncadd.s32 $0xFFFFF000  }
0x60: {  	_ =	swait.ge [sflag:s17], $0x400  }
0x61: {  	[sflag:s17] =	ssyncset.done $0x0  }
0x62: {  	[sflag:s17] =	ssyncadd.s32 $0xFFFFFC00  }
0x63: {  	_ =	swait.ge [sflag:s18], $0x1000  }
0x64: {  	[sflag:s18] =	ssyncset.done $0x0  }
0x65: {  	[sflag:s18] =	ssyncadd.s32 $0xFFFFF000  }
0x66: {  	_ =	swait.ge [sflag:s19], $0x400  }
0x67: {  	[sflag:s19] =	ssyncset.done $0x0  }
0x68: {  	[sflag:s19] =	ssyncadd.s32 $0xFFFFFC00  }
0x69: {  	[bflag:$0x0] =	sbarrier.arrive $0xFFFF  }
0x6a: {  	s0 =	rddreg [dreg:$0xd]  }
0x6b: {  	[hbm:s0], [sflag:s29] =	dma.local [spmem:s30], $0xA00  }
0x6c: {  	_ =	swait.ge [sflag:s23], $0xA00  }
0x6d: {  	[sflag:s23] =	ssyncset.done $0x0  }
0x6e: {  	s30 =	rddreg [dreg:$0xe];
	[sflag:s23] =	ssyncadd.s32 $0xFFFFF600  }
0x6f: {  	[hbm:s30], [sflag:s29] =	dma.local [spmem:s31], $0x280  }
0x70: {  	_ =	swait.ge [sflag:s23], $0x280  }
0x71: {  	s28 =	sadd.s32 $0x1, s28;
	s31 =	rddreg [dreg:$0xf]  }
0x72: {  	p0 =	sne.s32 s28, s31  }
.Ltmp1:
0x73: {  	_ = 	snop;
	(pc) =	sbr.rel @p0 .LBB2_1-.Ltmp1, $3  }
0x74: {  	_ =	sdelay $0x1  }
0x75: {  	[sflag:s23] =	ssyncset.done $0x0  }
0x76: {  	[sflag:s23] =	ssyncadd.s32 $0xFFFFFD80  }
0x77: {  	_ =	sfence.sel $0x180000  }
0x78: {  	[bflag:$0x0] =	sbarrier.arrive $0xFFFF  }
0x79: {  	_ =	strace $0x90000047  }
0x7a: {  	s0 =	stileid.u32;
	[bflag:$0x2] =	sbarrier.arrive $0xFFFF  }
0x7b: {  	p0 =	sne.s32 s0, $0x0;
	s0 =	rddreg [dreg:$0x4]  }
0x7c: {  	s0 =	sadd.s32 @!p0 $0x100000, s0  }
0x7d: {  	[sflag:s0] =	ssyncadd.tile.s32 @!p0 $0x1;
	_ =	shalt  }
.Lfunc_end2:
_tile_overlayer_lowered:
.L_overlay_start_2:
0x7e: {  	(tag) =	ssettag $0x2  }
0x7f: {  	s0 =	rddreg [dreg:$0x0];
	s2 =	stileid.u32  }
0x80: {  	s1 =	rddreg [dreg:$0x1];
	p0 =	sne.s32 s2, $0x0  }
0x81: {  	s3 =	rddreg [dreg:$0x2];
	[bflag:$0x3] =	sbarrier.arrive $0xFFFF;
	s2 =	simm.s32 @!p0 $0x1C0A  }
0x82: {  	[timem:s3], [sflag:s2] =	dma.local @!p0 [hbm:s0], s1  }
0x83: {  	s0 =	simm.s32 @!p0 $0xA  }
0x84: {  	_ =	swait.ge @!p0 [sflag:s0], s1  }
0x85: {  	s1 =	ssub.s32 @!p0 $0x0, s1;
	[sflag:s0] =	ssyncset.done @!p0 $0x0  }
0x86: {  	[sflag:s0] =	ssyncadd.s32 @!p0 s1  }
0x87: {  	[bflag:$0x3] =	sbarrier.arrive $0xFFFF  }
0x88: {  	_ =	shalt  }

</sc_bundles>
